<compile_context>
chip_gen: v7x
topology: tpu7x:2x2x1
jax: 0.10.2.dev20260603
libtpu: 0.0.44.dev20260713+nightly
codegen_flags: <defaults>
</compile_context>

<pallas_src>
import functools

import jax
import jax.numpy as jnp
from jax import lax
from jax.experimental import pallas as pl
from jax.experimental.pallas import tpu as pltpu
from jax.experimental.pallas import tpu_sc as plsc

_D = 128
_NC = 2
_NS = 16
_NW = _NC * _NS
_G = 3


def _emb_body(T, iblk, x_hbm, w_hbm, out_hbm, idx_v, buf_v, g0, g1):
    wid = lax.axis_index("s") * _NC + lax.axis_index("c")
    i0 = wid * iblk
    nmain = T // _G
    tail = T - nmain * _G

    pltpu.sync_copy(x_hbm.at[:, pl.ds(i0, iblk)], idx_v)

    sems = (g0, g1)

    def gathers(u, b, n=_G):
        return [
            pltpu.make_async_copy(
                w_hbm.at[idx_v.at[u * _G + j]], buf_v.at[b, j], sems[b])
            for j in range(n)
        ]

    def fire(u, b, n=_G):
        for c in gathers(u, b, n):
            c.start()

    def drain(u, b, n=_G):
        for c in gathers(u, b, n):
            c.wait()

    def write(u, b, n=_G):
        pltpu.sync_copy(buf_v.at[b, pl.ds(0, n)],
                        out_hbm.at[pl.ds(u * _G, n), pl.ds(i0, iblk)])

    fire(0, 0)
    fire(1, 1)

    def body(i, carry):
        for b in range(2):
            u = 2 * i + b
            drain(u, b)
            write(u, b)
            fire(u + 2, b)
        return carry

    lax.fori_loop(0, nmain // 2 - 1, body, 0)

    u = nmain - 2
    drain(u, 0)
    write(u, 0)
    fire(nmain, 0, n=tail)
    drain(u + 1, 1)
    write(u + 1, 1)
    drain(nmain, 0, n=tail)
    write(nmain, 0, n=tail)


def kernel(x, weight):
    S, T = x.shape
    iblk = S // _NW
    xt = jnp.transpose(x.astype(jnp.int32))

    mesh = plsc.VectorSubcoreMesh(core_axis_name="c", subcore_axis_name="s")
    k = pl.kernel(
        functools.partial(_emb_body, T, iblk),
        out_type=jax.ShapeDtypeStruct((T, S, _D), jnp.float32),
        mesh=mesh,
        scratch_types=[
            pltpu.VMEM((T, iblk), jnp.int32),
            pltpu.VMEM((2, _G, iblk, _D), jnp.float32),
            pltpu.SemaphoreType.DMA,
            pltpu.SemaphoreType.DMA,
        ],
    )
    out_t = k(xt, weight)
    return jnp.transpose(out_t, (1, 0, 2))

# --- scband reference (transcript-rebuilt; emitter-appended) ---
"""Pipeline reference for scband-embedding-63075889709612 (READ-ONLY COPY).

The authoritative reference and input builder live on the scoring server;
editing this copy changes nothing except your own understanding.
"""

import jax, jax.numpy as jnp
import numpy as np


def setup_inputs(seed: int = 0) -> dict:
    key = jax.random.key(seed)
    k_idx, k_w = jax.random.split(key)
    x = jax.random.randint(k_idx, (4096, 50), 0, 100000, dtype=jnp.int64 if jax.config.jax_enable_x64 else jnp.int32)
    weight = jax.random.normal(k_w, (100000, 128), dtype=jnp.float32) * 0.02
    return {"x": x, "weight": weight}


def reference(x, weight):
    # Embedding.forward: self.weight[x]
    return weight[x]

if __name__ == "__main__":
    import jax
    _d = setup_inputs()
    print(jax.jit(kernel)(*tuple(_d.values())))

</pallas_src>

<mosaic_0001>
#map = affine_map<(d0, d1) -> (0, 0)>
#map1 = affine_map<(d0, d1) -> (0, 0, 0)>
module attributes {stable_mosaic.version = 14 : i64} {
  func.func @_emb_body(%arg0: i32, %arg1: i32, %arg2: memref<50x4096xi32, #tpu.memory_space<hbm>>, %arg3: memref<100000x128xf32, #tpu.memory_space<hbm>>, %arg4: memref<50x4096x128xf32, #tpu.memory_space<hbm>>, %arg5: memref<50x128xi32, #tpu.memory_space<vmem>>, %arg6: memref<2x3x128x128xf32, #tpu.memory_space<vmem>>, %arg7: memref<!tpu.dma_semaphore, #tpu.memory_space<semaphore_mem>>, %arg8: memref<!tpu.dma_semaphore, #tpu.memory_space<semaphore_mem>>) attributes {dimension_semantics = [#tpu.dimension_semantics<core_parallel>, #tpu.dimension_semantics<subcore_parallel>], iteration_bounds = array<i64: 2, 16>, scalar_prefetch = 0 : i64, scratch_operands = 4 : i64, tpu.core_type = #tpu.core_type<sc_vector_subcore>, window_params = [{transform_indices = #map}, {transform_indices = #map}, {transform_indices = #map1}]} {
    %mul3A = arith.constant 2 : i32
    %mul3A_0 = arith.muli %arg1, %mul3A : i32
    %add3A = arith.addi %mul3A_0, %arg0 : i32
    %mul3A_1 = arith.constant 128 : i32
    %mul3A_2 = arith.muli %add3A, %mul3A_1 : i32
    "tpu.region"() ({
      %run_scoped3A_216 = tpu.sem_alloc : memref<!tpu.dma_semaphore, #tpu.memory_space<semaphore_mem>>
      %dma_start3A_217 = arith.constant 0 : i32
      %dma_start3A_218 = tpu.memref_slice %arg2[%dma_start3A_217, %mul3A_2] : memref<50x4096xi32, #tpu.memory_space<hbm>> -> memref<50x128xi32, #tpu.memory_space<hbm>>
      %dma_start3A_219 = arith.constant 0 : i32
      %dma_start3A_220 = tpu.memref_slice %arg2[%dma_start3A_219, %mul3A_2] : memref<50x4096xi32, #tpu.memory_space<hbm>> -> memref<50x128xi32, #tpu.memory_space<hbm>>
      tpu.enqueue_dma source(%dma_start3A_220 : memref<50x128xi32, #tpu.memory_space<hbm>>) target(%arg5 : memref<50x128xi32, #tpu.memory_space<vmem>>) target_semaphore(%run_scoped3A_216 : memref<!tpu.dma_semaphore, #tpu.memory_space<semaphore_mem>>)
      %dma_wait3A_221 = arith.constant 0 : i32
      %dma_wait3A_222 = tpu.memref_slice %arg2[%dma_wait3A_221, %mul3A_2] : memref<50x4096xi32, #tpu.memory_space<hbm>> -> memref<50x128xi32, #tpu.memory_space<hbm>>
      %dma_wait3A_223 = arith.constant 0 : i32
      %dma_wait3A_224 = tpu.memref_slice %arg2[%dma_wait3A_223, %mul3A_2] : memref<50x4096xi32, #tpu.memory_space<hbm>> -> memref<50x128xi32, #tpu.memory_space<hbm>>
      tpu.wait_dma2 semaphore(%run_scoped3A_216 : memref<!tpu.dma_semaphore, #tpu.memory_space<semaphore_mem>>) src(%dma_wait3A_224 : memref<50x128xi32, #tpu.memory_space<hbm>>) dst(%arg5 : memref<50x128xi32, #tpu.memory_space<vmem>>)
      tpu.yield
    }) : () -> ()
    %dma_start3A = arith.constant 0 : i32
    %dma_start3A_3 = arith.constant 0 : i32
    %dma_start3A_4 = arith.constant 0 : i32
    %dma_start3A_5 = arith.constant 0 : i32
    %dma_start3A_6 = arith.constant 0 : i32
    %dma_start3A_7 = tpu.memref_slice %arg6[%dma_start3A_3, %dma_start3A_4, %dma_start3A_5, %dma_start3A_6] : memref<2x3x128x128xf32, #tpu.memory_space<vmem>> -> memref<1x1x128x128xf32, #tpu.memory_space<vmem>>
    %dma_start3A_8 = tpu.memref_squeeze %dma_start3A_7 : memref<1x1x128x128xf32, #tpu.memory_space<vmem>> -> memref<128x128xf32, #tpu.memory_space<vmem>>
    %dma_start3A_9 = arith.constant 0 : i32
    %dma_start3A_10 = tpu.memref_slice %arg5[%dma_start3A, %dma_start3A_9] : memref<50x128xi32, #tpu.memory_space<vmem>> -> memref<1x128xi32, #tpu.memory_space<vmem>>
    %dma_start3A_11 = tpu.memref_squeeze %dma_start3A_10 : memref<1x128xi32, #tpu.memory_space<vmem>> -> memref<128xi32, #tpu.memory_space<vmem>>
    %dma_start3A_12 = arith.constant 0 : i32
    %dma_start3A_13 = arith.constant 0 : i32
    %dma_start3A_14 = tpu.memref_slice %arg3[%dma_start3A_12, %dma_start3A_13] : memref<100000x128xf32, #tpu.memory_space<hbm>> -> memref<100000x128xf32, #tpu.memory_space<hbm>>
    tpu.enqueue_indirect_dma source(%dma_start3A_14 : memref<100000x128xf32, #tpu.memory_space<hbm>>) target(%dma_start3A_8 : memref<128x128xf32, #tpu.memory_space<vmem>>) offsets(%dma_start3A_11 : memref<128xi32, #tpu.memory_space<vmem>>) semaphore(%arg7 : memref<!tpu.dma_semaphore, #tpu.memory_space<semaphore_mem>>)
    %dma_start3A_15 = arith.constant 1 : i32
    %dma_start3A_16 = arith.constant 0 : i32
    %dma_start3A_17 = arith.constant 1 : i32
    %dma_start3A_18 = arith.constant 0 : i32
    %dma_start3A_19 = arith.constant 0 : i32
    %dma_start3A_20 = tpu.memref_slice %arg6[%dma_start3A_16, %dma_start3A_17, %dma_start3A_18, %dma_start3A_19] : memref<2x3x128x128xf32, #tpu.memory_space<vmem>> -> memref<1x1x128x128xf32, #tpu.memory_space<vmem>>
    %dma_start3A_21 = tpu.memref_squeeze %dma_start3A_20 : memref<1x1x128x128xf32, #tpu.memory_space<vmem>> -> memref<128x128xf32, #tpu.memory_space<vmem>>
    %dma_start3A_22 = arith.constant 0 : i32
    %dma_start3A_23 = tpu.memref_slice %arg5[%dma_start3A_15, %dma_start3A_22] : memref<50x128xi32, #tpu.memory_space<vmem>> -> memref<1x128xi32, #tpu.memory_space<vmem>>
    %dma_start3A_24 = tpu.memref_squeeze %dma_start3A_23 : memref<1x128xi32, #tpu.memory_space<vmem>> -> memref<128xi32, #tpu.memory_space<vmem>>
    %dma_start3A_25 = arith.constant 0 : i32
    %dma_start3A_26 = arith.constant 0 : i32
    %dma_start3A_27 = tpu.memref_slice %arg3[%dma_start3A_25, %dma_start3A_26] : memref<100000x128xf32, #tpu.memory_space<hbm>> -> memref<100000x128xf32, #tpu.memory_space<hbm>>
    tpu.enqueue_indirect_dma source(%dma_start3A_27 : memref<100000x128xf32, #tpu.memory_space<hbm>>) target(%dma_start3A_21 : memref<128x128xf32, #tpu.memory_space<vmem>>) offsets(%dma_start3A_24 : memref<128xi32, #tpu.memory_space<vmem>>) semaphore(%arg7 : memref<!tpu.dma_semaphore, #tpu.memory_space<semaphore_mem>>)
    %dma_start3A_28 = arith.constant 2 : i32
    %dma_start3A_29 = arith.constant 0 : i32
    %dma_start3A_30 = arith.constant 2 : i32
    %dma_start3A_31 = arith.constant 0 : i32
    %dma_start3A_32 = arith.constant 0 : i32
    %dma_start3A_33 = tpu.memref_slice %arg6[%dma_start3A_29, %dma_start3A_30, %dma_start3A_31, %dma_start3A_32] : memref<2x3x128x128xf32, #tpu.memory_space<vmem>> -> memref<1x1x128x128xf32, #tpu.memory_space<vmem>>
    %dma_start3A_34 = tpu.memref_squeeze %dma_start3A_33 : memref<1x1x128x128xf32, #tpu.memory_space<vmem>> -> memref<128x128xf32, #tpu.memory_space<vmem>>
    %dma_start3A_35 = arith.constant 0 : i32
    %dma_start3A_36 = tpu.memref_slice %arg5[%dma_start3A_28, %dma_start3A_35] : memref<50x128xi32, #tpu.memory_space<vmem>> -> memref<1x128xi32, #tpu.memory_space<vmem>>
    %dma_start3A_37 = tpu.memref_squeeze %dma_start3A_36 : memref<1x128xi32, #tpu.memory_space<vmem>> -> memref<128xi32, #tpu.memory_space<vmem>>
    %dma_start3A_38 = arith.constant 0 : i32
    %dma_start3A_39 = arith.constant 0 : i32
    %dma_start3A_40 = tpu.memref_slice %arg3[%dma_start3A_38, %dma_start3A_39] : memref<100000x128xf32, #tpu.memory_space<hbm>> -> memref<100000x128xf32, #tpu.memory_space<hbm>>
    tpu.enqueue_indirect_dma source(%dma_start3A_40 : memref<100000x128xf32, #tpu.memory_space<hbm>>) target(%dma_start3A_34 : memref<128x128xf32, #tpu.memory_space<vmem>>) offsets(%dma_start3A_37 : memref<128xi32, #tpu.memory_space<vmem>>) semaphore(%arg7 : memref<!tpu.dma_semaphore, #tpu.memory_space<semaphore_mem>>)
    %dma_start3A_41 = arith.constant 3 : i32
    %dma_start3A_42 = arith.constant 1 : i32
    %dma_start3A_43 = arith.constant 0 : i32
    %dma_start3A_44 = arith.constant 0 : i32
    %dma_start3A_45 = arith.constant 0 : i32
    %dma_start3A_46 = tpu.memref_slice %arg6[%dma_start3A_42, %dma_start3A_43, %dma_start3A_44, %dma_start3A_45] : memref<2x3x128x128xf32, #tpu.memory_space<vmem>> -> memref<1x1x128x128xf32, #tpu.memory_space<vmem>>
    %dma_start3A_47 = tpu.memref_squeeze %dma_start3A_46 : memref<1x1x128x128xf32, #tpu.memory_space<vmem>> -> memref<128x128xf32, #tpu.memory_space<vmem>>
    %dma_start3A_48 = arith.constant 0 : i32
    %dma_start3A_49 = tpu.memref_slice %arg5[%dma_start3A_41, %dma_start3A_48] : memref<50x128xi32, #tpu.memory_space<vmem>> -> memref<1x128xi32, #tpu.memory_space<vmem>>
    %dma_start3A_50 = tpu.memref_squeeze %dma_start3A_49 : memref<1x128xi32, #tpu.memory_space<vmem>> -> memref<128xi32, #tpu.memory_space<vmem>>
    %dma_start3A_51 = arith.constant 0 : i32
    %dma_start3A_52 = arith.constant 0 : i32
    %dma_start3A_53 = tpu.memref_slice %arg3[%dma_start3A_51, %dma_start3A_52] : memref<100000x128xf32, #tpu.memory_space<hbm>> -> memref<100000x128xf32, #tpu.memory_space<hbm>>
    tpu.enqueue_indirect_dma source(%dma_start3A_53 : memref<100000x128xf32, #tpu.memory_space<hbm>>) target(%dma_start3A_47 : memref<128x128xf32, #tpu.memory_space<vmem>>) offsets(%dma_start3A_50 : memref<128xi32, #tpu.memory_space<vmem>>) semaphore(%arg8 : memref<!tpu.dma_semaphore, #tpu.memory_space<semaphore_mem>>)
    %dma_start3A_54 = arith.constant 4 : i32
    %dma_start3A_55 = arith.constant 1 : i32
    %dma_start3A_56 = arith.constant 1 : i32
    %dma_start3A_57 = arith.constant 0 : i32
    %dma_start3A_58 = arith.constant 0 : i32
    %dma_start3A_59 = tpu.memref_slice %arg6[%dma_start3A_55, %dma_start3A_56, %dma_start3A_57, %dma_start3A_58] : memref<2x3x128x128xf32, #tpu.memory_space<vmem>> -> memref<1x1x128x128xf32, #tpu.memory_space<vmem>>
    %dma_start3A_60 = tpu.memref_squeeze %dma_start3A_59 : memref<1x1x128x128xf32, #tpu.memory_space<vmem>> -> memref<128x128xf32, #tpu.memory_space<vmem>>
    %dma_start3A_61 = arith.constant 0 : i32
    %dma_start3A_62 = tpu.memref_slice %arg5[%dma_start3A_54, %dma_start3A_61] : memref<50x128xi32, #tpu.memory_space<vmem>> -> memref<1x128xi32, #tpu.memory_space<vmem>>
    %dma_start3A_63 = tpu.memref_squeeze %dma_start3A_62 : memref<1x128xi32, #tpu.memory_space<vmem>> -> memref<128xi32, #tpu.memory_space<vmem>>
    %dma_start3A_64 = arith.constant 0 : i32
    %dma_start3A_65 = arith.constant 0 : i32
    %dma_start3A_66 = tpu.memref_slice %arg3[%dma_start3A_64, %dma_start3A_65] : memref<100000x128xf32, #tpu.memory_space<hbm>> -> memref<100000x128xf32, #tpu.memory_space<hbm>>
    tpu.enqueue_indirect_dma source(%dma_start3A_66 : memref<100000x128xf32, #tpu.memory_space<hbm>>) target(%dma_start3A_60 : memref<128x128xf32, #tpu.memory_space<vmem>>) offsets(%dma_start3A_63 : memref<128xi32, #tpu.memory_space<vmem>>) semaphore(%arg8 : memref<!tpu.dma_semaphore, #tpu.memory_space<semaphore_mem>>)
    %dma_start3A_67 = arith.constant 5 : i32
    %dma_start3A_68 = arith.constant 1 : i32
    %dma_start3A_69 = arith.constant 2 : i32
    %dma_start3A_70 = arith.constant 0 : i32
    %dma_start3A_71 = arith.constant 0 : i32
    %dma_start3A_72 = tpu.memref_slice %arg6[%dma_start3A_68, %dma_start3A_69, %dma_start3A_70, %dma_start3A_71] : memref<2x3x128x128xf32, #tpu.memory_space<vmem>> -> memref<1x1x128x128xf32, #tpu.memory_space<vmem>>
    %dma_start3A_73 = tpu.memref_squeeze %dma_start3A_72 : memref<1x1x128x128xf32, #tpu.memory_space<vmem>> -> memref<128x128xf32, #tpu.memory_space<vmem>>
    %dma_start3A_74 = arith.constant 0 : i32
    %dma_start3A_75 = tpu.memref_slice %arg5[%dma_start3A_67, %dma_start3A_74] : memref<50x128xi32, #tpu.memory_space<vmem>> -> memref<1x128xi32, #tpu.memory_space<vmem>>
    %dma_start3A_76 = tpu.memref_squeeze %dma_start3A_75 : memref<1x128xi32, #tpu.memory_space<vmem>> -> memref<128xi32, #tpu.memory_space<vmem>>
    %dma_start3A_77 = arith.constant 0 : i32
    %dma_start3A_78 = arith.constant 0 : i32
    %dma_start3A_79 = tpu.memref_slice %arg3[%dma_start3A_77, %dma_start3A_78] : memref<100000x128xf32, #tpu.memory_space<hbm>> -> memref<100000x128xf32, #tpu.memory_space<hbm>>
    tpu.enqueue_indirect_dma source(%dma_start3A_79 : memref<100000x128xf32, #tpu.memory_space<hbm>>) target(%dma_start3A_73 : memref<128x128xf32, #tpu.memory_space<vmem>>) offsets(%dma_start3A_76 : memref<128xi32, #tpu.memory_space<vmem>>) semaphore(%arg8 : memref<!tpu.dma_semaphore, #tpu.memory_space<semaphore_mem>>)
    %scan3A = arith.constant 0 : i32
    %scan3A_80 = arith.constant 0 : i32
    %scan3A_81 = arith.constant 7 : i32
    %scan3A_82 = arith.addi %scan3A_80, %scan3A_81 : i32
    %scan3A_83 = arith.constant 1 : i32
    scf.for %scan3A_216 = %scan3A_80 to %scan3A_82 step %scan3A_83  : i32 {
      %mul3A_217 = arith.constant 2 : i32
      %mul3A_218 = arith.muli %mul3A_217, %scan3A_216 : i32
      %add3A_219 = arith.constant 0 : i32
      %add3A_220 = arith.addi %mul3A_218, %add3A_219 : i32
      %mul3A_221 = arith.constant 3 : i32
      %mul3A_222 = arith.muli %add3A_220, %mul3A_221 : i32
      %add3A_223 = arith.constant 0 : i32
      %add3A_224 = arith.addi %mul3A_222, %add3A_223 : i32
      %mul3A_225 = arith.constant 3 : i32
      %mul3A_226 = arith.muli %add3A_220, %mul3A_225 : i32
      %add3A_227 = arith.constant 1 : i32
      %add3A_228 = arith.addi %mul3A_226, %add3A_227 : i32
      %mul3A_229 = arith.constant 3 : i32
      %mul3A_230 = arith.muli %add3A_220, %mul3A_229 : i32
      %add3A_231 = arith.constant 2 : i32
      %add3A_232 = arith.addi %mul3A_230, %add3A_231 : i32
      %dma_wait3A_233 = arith.constant 0 : i32
      %dma_wait3A_234 = arith.constant 0 : i32
      %dma_wait3A_235 = arith.constant 0 : i32
      %dma_wait3A_236 = arith.constant 0 : i32
      %dma_wait3A_237 = tpu.memref_slice %arg6[%dma_wait3A_233, %dma_wait3A_234, %dma_wait3A_235, %dma_wait3A_236] : memref<2x3x128x128xf32, #tpu.memory_space<vmem>> -> memref<1x1x128x128xf32, #tpu.memory_space<vmem>>
      %dma_wait3A_238 = tpu.memref_squeeze %dma_wait3A_237 : memref<1x1x128x128xf32, #tpu.memory_space<vmem>> -> memref<128x128xf32, #tpu.memory_space<vmem>>
      %dma_wait3A_239 = arith.constant 0 : i32
      %dma_wait3A_240 = tpu.memref_slice %arg5[%add3A_224, %dma_wait3A_239] : memref<50x128xi32, #tpu.memory_space<vmem>> -> memref<1x128xi32, #tpu.memory_space<vmem>>
      %dma_wait3A_241 = tpu.memref_squeeze %dma_wait3A_240 : memref<1x128xi32, #tpu.memory_space<vmem>> -> memref<128xi32, #tpu.memory_space<vmem>>
      %dma_wait3A_242 = arith.constant 0 : i32
      %dma_wait3A_243 = arith.constant 0 : i32
      %dma_wait3A_244 = tpu.memref_slice %arg3[%dma_wait3A_242, %dma_wait3A_243] : memref<100000x128xf32, #tpu.memory_space<hbm>> -> memref<100000x128xf32, #tpu.memory_space<hbm>>
      tpu.wait_indirect_dma semaphore(%arg7 : memref<!tpu.dma_semaphore, #tpu.memory_space<semaphore_mem>>) src(%dma_wait3A_244 : memref<100000x128xf32, #tpu.memory_space<hbm>>) dst(%dma_wait3A_238 : memref<128x128xf32, #tpu.memory_space<vmem>>)
      %dma_wait3A_245 = arith.constant 0 : i32
      %dma_wait3A_246 = arith.constant 1 : i32
      %dma_wait3A_247 = arith.constant 0 : i32
      %dma_wait3A_248 = arith.constant 0 : i32
      %dma_wait3A_249 = tpu.memref_slice %arg6[%dma_wait3A_245, %dma_wait3A_246, %dma_wait3A_247, %dma_wait3A_248] : memref<2x3x128x128xf32, #tpu.memory_space<vmem>> -> memref<1x1x128x128xf32, #tpu.memory_space<vmem>>
      %dma_wait3A_250 = tpu.memref_squeeze %dma_wait3A_249 : memref<1x1x128x128xf32, #tpu.memory_space<vmem>> -> memref<128x128xf32, #tpu.memory_space<vmem>>
      %dma_wait3A_251 = arith.constant 0 : i32
      %dma_wait3A_252 = tpu.memref_slice %arg5[%add3A_228, %dma_wait3A_251] : memref<50x128xi32, #tpu.memory_space<vmem>> -> memref<1x128xi32, #tpu.memory_space<vmem>>
      %dma_wait3A_253 = tpu.memref_squeeze %dma_wait3A_252 : memref<1x128xi32, #tpu.memory_space<vmem>> -> memref<128xi32, #tpu.memory_space<vmem>>
      %dma_wait3A_254 = arith.constant 0 : i32
      %dma_wait3A_255 = arith.constant 0 : i32
      %dma_wait3A_256 = tpu.memref_slice %arg3[%dma_wait3A_254, %dma_wait3A_255] : memref<100000x128xf32, #tpu.memory_space<hbm>> -> memref<100000x128xf32, #tpu.memory_space<hbm>>
      tpu.wait_indirect_dma semaphore(%arg7 : memref<!tpu.dma_semaphore, #tpu.memory_space<semaphore_mem>>) src(%dma_wait3A_256 : memref<100000x128xf32, #tpu.memory_space<hbm>>) dst(%dma_wait3A_250 : memref<128x128xf32, #tpu.memory_space<vmem>>)
      %dma_wait3A_257 = arith.constant 0 : i32
      %dma_wait3A_258 = arith.constant 2 : i32
      %dma_wait3A_259 = arith.constant 0 : i32
      %dma_wait3A_260 = arith.constant 0 : i32
      %dma_wait3A_261 = tpu.memref_slice %arg6[%dma_wait3A_257, %dma_wait3A_258, %dma_wait3A_259, %dma_wait3A_260] : memref<2x3x128x128xf32, #tpu.memory_space<vmem>> -> memref<1x1x128x128xf32, #tpu.memory_space<vmem>>
      %dma_wait3A_262 = tpu.memref_squeeze %dma_wait3A_261 : memref<1x1x128x128xf32, #tpu.memory_space<vmem>> -> memref<128x128xf32, #tpu.memory_space<vmem>>
      %dma_wait3A_263 = arith.constant 0 : i32
      %dma_wait3A_264 = tpu.memref_slice %arg5[%add3A_232, %dma_wait3A_263] : memref<50x128xi32, #tpu.memory_space<vmem>> -> memref<1x128xi32, #tpu.memory_space<vmem>>
      %dma_wait3A_265 = tpu.memref_squeeze %dma_wait3A_264 : memref<1x128xi32, #tpu.memory_space<vmem>> -> memref<128xi32, #tpu.memory_space<vmem>>
      %dma_wait3A_266 = arith.constant 0 : i32
      %dma_wait3A_267 = arith.constant 0 : i32
      %dma_wait3A_268 = tpu.memref_slice %arg3[%dma_wait3A_266, %dma_wait3A_267] : memref<100000x128xf32, #tpu.memory_space<hbm>> -> memref<100000x128xf32, #tpu.memory_space<hbm>>
      tpu.wait_indirect_dma semaphore(%arg7 : memref<!tpu.dma_semaphore, #tpu.memory_space<semaphore_mem>>) src(%dma_wait3A_268 : memref<100000x128xf32, #tpu.memory_space<hbm>>) dst(%dma_wait3A_262 : memref<128x128xf32, #tpu.memory_space<vmem>>)
      %mul3A_269 = arith.constant 3 : i32
      %mul3A_270 = arith.muli %add3A_220, %mul3A_269 : i32
      %run_scoped3A_271 = arith.constant 0 : i32
      "tpu.region"() ({
        %run_scoped3A_427 = tpu.sem_alloc : memref<!tpu.dma_semaphore, #tpu.memory_space<semaphore_mem>>
        %dma_start3A_428 = arith.constant 0 : i32
        %dma_start3A_429 = arith.constant 0 : i32
        %dma_start3A_430 = arith.constant 0 : i32
        %dma_start3A_431 = tpu.memref_slice %arg6[%run_scoped3A_271, %dma_start3A_428, %dma_start3A_429, %dma_start3A_430] : memref<2x3x128x128xf32, #tpu.memory_space<vmem>> -> memref<1x3x128x128xf32, #tpu.memory_space<vmem>>
        %dma_start3A_432 = tpu.memref_squeeze %dma_start3A_431 : memref<1x3x128x128xf32, #tpu.memory_space<vmem>> -> memref<3x128x128xf32, #tpu.memory_space<vmem>>
        %dma_start3A_433 = arith.constant 0 : i32
        %dma_start3A_434 = tpu.memref_slice %arg4[%mul3A_270, %mul3A_2, %dma_start3A_433] : memref<50x4096x128xf32, #tpu.memory_space<hbm>> -> memref<3x128x128xf32, #tpu.memory_space<hbm>>
        %dma_start3A_435 = arith.constant 0 : i32
        %dma_start3A_436 = tpu.memref_slice %arg4[%mul3A_270, %mul3A_2, %dma_start3A_435] : memref<50x4096x128xf32, #tpu.memory_space<hbm>> -> memref<3x128x128xf32, #tpu.memory_space<hbm>>
        %dma_start3A_437 = arith.constant 0 : i32
        %dma_start3A_438 = arith.constant 0 : i32
        %dma_start3A_439 = arith.constant 0 : i32
        %dma_start3A_440 = tpu.memref_slice %arg6[%run_scoped3A_271, %dma_start3A_437, %dma_start3A_438, %dma_start3A_439] : memref<2x3x128x128xf32, #tpu.memory_space<vmem>> -> memref<1x3x128x128xf32, #tpu.memory_space<vmem>>
        %dma_start3A_441 = tpu.memref_squeeze %dma_start3A_440 : memref<1x3x128x128xf32, #tpu.memory_space<vmem>> -> memref<3x128x128xf32, #tpu.memory_space<vmem>>
        tpu.enqueue_dma source(%dma_start3A_441 : memref<3x128x128xf32, #tpu.memory_space<vmem>>) target(%dma_start3A_436 : memref<3x128x128xf32, #tpu.memory_space<hbm>>) target_semaphore(%run_scoped3A_427 : memref<!tpu.dma_semaphore, #tpu.memory_space<semaphore_mem>>)
        %dma_wait3A_442 = arith.constant 0 : i32
        %dma_wait3A_443 = arith.constant 0 : i32
        %dma_wait3A_444 = arith.constant 0 : i32
        %dma_wait3A_445 = tpu.memref_slice %arg6[%run_scoped3A_271, %dma_wait3A_442, %dma_wait3A_443, %dma_wait3A_444] : memref<2x3x128x128xf32, #tpu.memory_space<vmem>> -> memref<1x3x128x128xf32, #tpu.memory_space<vmem>>
        %dma_wait3A_446 = tpu.memref_squeeze %dma_wait3A_445 : memref<1x3x128x128xf32, #tpu.memory_space<vmem>> -> memref<3x128x128xf32, #tpu.memory_space<vmem>>
        %dma_wait3A_447 = arith.constant 0 : i32
        %dma_wait3A_448 = tpu.memref_slice %arg4[%mul3A_270, %mul3A_2, %dma_wait3A_447] : memref<50x4096x128xf32, #tpu.memory_space<hbm>> -> memref<3x128x128xf32, #tpu.memory_space<hbm>>
        %dma_wait3A_449 = arith.constant 0 : i32
        %dma_wait3A_450 = tpu.memref_slice %arg4[%mul3A_270, %mul3A_2, %dma_wait3A_449] : memref<50x4096x128xf32, #tpu.memory_space<hbm>> -> memref<3x128x128xf32, #tpu.memory_space<hbm>>
        %dma_wait3A_451 = arith.constant 0 : i32
        %dma_wait3A_452 = arith.constant 0 : i32
        %dma_wait3A_453 = arith.constant 0 : i32
        %dma_wait3A_454 = tpu.memref_slice %arg6[%run_scoped3A_271, %dma_wait3A_451, %dma_wait3A_452, %dma_wait3A_453] : memref<2x3x128x128xf32, #tpu.memory_space<vmem>> -> memref<1x3x128x128xf32, #tpu.memory_space<vmem>>
        %dma_wait3A_455 = tpu.memref_squeeze %dma_wait3A_454 : memref<1x3x128x128xf32, #tpu.memory_space<vmem>> -> memref<3x128x128xf32, #tpu.memory_space<vmem>>
        tpu.wait_dma2 semaphore(%run_scoped3A_427 : memref<!tpu.dma_semaphore, #tpu.memory_space<semaphore_mem>>) src(%dma_wait3A_455 : memref<3x128x128xf32, #tpu.memory_space<vmem>>) dst(%dma_wait3A_450 : memref<3x128x128xf32, #tpu.memory_space<hbm>>)
        tpu.yield
      }) : () -> ()
      %add3A_272 = arith.constant 2 : i32
      %add3A_273 = arith.addi %add3A_220, %add3A_272 : i32
      %mul3A_274 = arith.constant 3 : i32
      %mul3A_275 = arith.muli %add3A_273, %mul3A_274 : i32
      %add3A_276 = arith.constant 0 : i32
      %add3A_277 = arith.addi %mul3A_275, %add3A_276 : i32
      %mul3A_278 = arith.constant 3 : i32
      %mul3A_279 = arith.muli %add3A_273, %mul3A_278 : i32
      %add3A_280 = arith.constant 1 : i32
      %add3A_281 = arith.addi %mul3A_279, %add3A_280 : i32
      %mul3A_282 = arith.constant 3 : i32
      %mul3A_283 = arith.muli %add3A_273, %mul3A_282 : i32
      %add3A_284 = arith.constant 2 : i32
      %add3A_285 = arith.addi %mul3A_283, %add3A_284 : i32
      %dma_start3A_286 = arith.constant 0 : i32
      %dma_start3A_287 = arith.constant 0 : i32
      %dma_start3A_288 = arith.constant 0 : i32
      %dma_start3A_289 = arith.constant 0 : i32
      %dma_start3A_290 = tpu.memref_slice %arg6[%dma_start3A_286, %dma_start3A_287, %dma_start3A_288, %dma_start3A_289] : memref<2x3x128x128xf32, #tpu.memory_space<vmem>> -> memref<1x1x128x128xf32, #tpu.memory_space<vmem>>
      %dma_start3A_291 = tpu.memref_squeeze %dma_start3A_290 : memref<1x1x128x128xf32, #tpu.memory_space<vmem>> -> memref<128x128xf32, #tpu.memory_space<vmem>>
      %dma_start3A_292 = arith.constant 0 : i32
      %dma_start3A_293 = tpu.memref_slice %arg5[%add3A_277, %dma_start3A_292] : memref<50x128xi32, #tpu.memory_space<vmem>> -> memref<1x128xi32, #tpu.memory_space<vmem>>
      %dma_start3A_294 = tpu.memref_squeeze %dma_start3A_293 : memref<1x128xi32, #tpu.memory_space<vmem>> -> memref<128xi32, #tpu.memory_space<vmem>>
      %dma_start3A_295 = arith.constant 0 : i32
      %dma_start3A_296 = arith.constant 0 : i32
      %dma_start3A_297 = tpu.memref_slice %arg3[%dma_start3A_295, %dma_start3A_296] : memref<100000x128xf32, #tpu.memory_space<hbm>> -> memref<100000x128xf32, #tpu.memory_space<hbm>>
      tpu.enqueue_indirect_dma source(%dma_start3A_297 : memref<100000x128xf32, #tpu.memory_space<hbm>>) target(%dma_start3A_291 : memref<128x128xf32, #tpu.memory_space<vmem>>) offsets(%dma_start3A_294 : memref<128xi32, #tpu.memory_space<vmem>>) semaphore(%arg7 : memref<!tpu.dma_semaphore, #tpu.memory_space<semaphore_mem>>)
      %dma_start3A_298 = arith.constant 0 : i32
      %dma_start3A_299 = arith.constant 1 : i32
      %dma_start3A_300 = arith.constant 0 : i32
      %dma_start3A_301 = arith.constant 0 : i32
      %dma_start3A_302 = tpu.memref_slice %arg6[%dma_start3A_298, %dma_start3A_299, %dma_start3A_300, %dma_start3A_301] : memref<2x3x128x128xf32, #tpu.memory_space<vmem>> -> memref<1x1x128x128xf32, #tpu.memory_space<vmem>>
      %dma_start3A_303 = tpu.memref_squeeze %dma_start3A_302 : memref<1x1x128x128xf32, #tpu.memory_space<vmem>> -> memref<128x128xf32, #tpu.memory_space<vmem>>
      %dma_start3A_304 = arith.constant 0 : i32
      %dma_start3A_305 = tpu.memref_slice %arg5[%add3A_281, %dma_start3A_304] : memref<50x128xi32, #tpu.memory_space<vmem>> -> memref<1x128xi32, #tpu.memory_space<vmem>>
      %dma_start3A_306 = tpu.memref_squeeze %dma_start3A_305 : memref<1x128xi32, #tpu.memory_space<vmem>> -> memref<128xi32, #tpu.memory_space<vmem>>
      %dma_start3A_307 = arith.constant 0 : i32
      %dma_start3A_308 = arith.constant 0 : i32
      %dma_start3A_309 = tpu.memref_slice %arg3[%dma_start3A_307, %dma_start3A_308] : memref<100000x128xf32, #tpu.memory_space<hbm>> -> memref<100000x128xf32, #tpu.memory_space<hbm>>
      tpu.enqueue_indirect_dma source(%dma_start3A_309 : memref<100000x128xf32, #tpu.memory_space<hbm>>) target(%dma_start3A_303 : memref<128x128xf32, #tpu.memory_space<vmem>>) offsets(%dma_start3A_306 : memref<128xi32, #tpu.memory_space<vmem>>) semaphore(%arg7 : memref<!tpu.dma_semaphore, #tpu.memory_space<semaphore_mem>>)
      %dma_start3A_310 = arith.constant 0 : i32
      %dma_start3A_311 = arith.constant 2 : i32
      %dma_start3A_312 = arith.constant 0 : i32
      %dma_start3A_313 = arith.constant 0 : i32
      %dma_start3A_314 = tpu.memref_slice %arg6[%dma_start3A_310, %dma_start3A_311, %dma_start3A_312, %dma_start3A_313] : memref<2x3x128x128xf32, #tpu.memory_space<vmem>> -> memref<1x1x128x128xf32, #tpu.memory_space<vmem>>
      %dma_start3A_315 = tpu.memref_squeeze %dma_start3A_314 : memref<1x1x128x128xf32, #tpu.memory_space<vmem>> -> memref<128x128xf32, #tpu.memory_space<vmem>>
      %dma_start3A_316 = arith.constant 0 : i32
      %dma_start3A_317 = tpu.memref_slice %arg5[%add3A_285, %dma_start3A_316] : memref<50x128xi32, #tpu.memory_space<vmem>> -> memref<1x128xi32, #tpu.memory_space<vmem>>
      %dma_start3A_318 = tpu.memref_squeeze %dma_start3A_317 : memref<1x128xi32, #tpu.memory_space<vmem>> -> memref<128xi32, #tpu.memory_space<vmem>>
      %dma_start3A_319 = arith.constant 0 : i32
      %dma_start3A_320 = arith.constant 0 : i32
      %dma_start3A_321 = tpu.memref_slice %arg3[%dma_start3A_319, %dma_start3A_320] : memref<100000x128xf32, #tpu.memory_space<hbm>> -> memref<100000x128xf32, #tpu.memory_space<hbm>>
      tpu.enqueue_indirect_dma source(%dma_start3A_321 : memref<100000x128xf32, #tpu.memory_space<hbm>>) target(%dma_start3A_315 : memref<128x128xf32, #tpu.memory_space<vmem>>) offsets(%dma_start3A_318 : memref<128xi32, #tpu.memory_space<vmem>>) semaphore(%arg7 : memref<!tpu.dma_semaphore, #tpu.memory_space<semaphore_mem>>)
      %mul3A_322 = arith.constant 2 : i32
      %mul3A_323 = arith.muli %mul3A_322, %scan3A_216 : i32
      %add3A_324 = arith.constant 1 : i32
      %add3A_325 = arith.addi %mul3A_323, %add3A_324 : i32
      %mul3A_326 = arith.constant 3 : i32
      %mul3A_327 = arith.muli %add3A_325, %mul3A_326 : i32
      %add3A_328 = arith.constant 0 : i32
      %add3A_329 = arith.addi %mul3A_327, %add3A_328 : i32
      %mul3A_330 = arith.constant 3 : i32
      %mul3A_331 = arith.muli %add3A_325, %mul3A_330 : i32
      %add3A_332 = arith.constant 1 : i32
      %add3A_333 = arith.addi %mul3A_331, %add3A_332 : i32
      %mul3A_334 = arith.constant 3 : i32
      %mul3A_335 = arith.muli %add3A_325, %mul3A_334 : i32
      %add3A_336 = arith.constant 2 : i32
      %add3A_337 = arith.addi %mul3A_335, %add3A_336 : i32
      %dma_wait3A_338 = arith.constant 1 : i32
      %dma_wait3A_339 = arith.constant 0 : i32
      %dma_wait3A_340 = arith.constant 0 : i32
      %dma_wait3A_341 = arith.constant 0 : i32
      %dma_wait3A_342 = tpu.memref_slice %arg6[%dma_wait3A_338, %dma_wait3A_339, %dma_wait3A_340, %dma_wait3A_341] : memref<2x3x128x128xf32, #tpu.memory_space<vmem>> -> memref<1x1x128x128xf32, #tpu.memory_space<vmem>>
      %dma_wait3A_343 = tpu.memref_squeeze %dma_wait3A_342 : memref<1x1x128x128xf32, #tpu.memory_space<vmem>> -> memref<128x128xf32, #tpu.memory_space<vmem>>
      %dma_wait3A_344 = arith.constant 0 : i32
      %dma_wait3A_345 = tpu.memref_slice %arg5[%add3A_329, %dma_wait3A_344] : memref<50x128xi32, #tpu.memory_space<vmem>> -> memref<1x128xi32, #tpu.memory_space<vmem>>
      %dma_wait3A_346 = tpu.memref_squeeze %dma_wait3A_345 : memref<1x128xi32, #tpu.memory_space<vmem>> -> memref<128xi32, #tpu.memory_space<vmem>>
      %dma_wait3A_347 = arith.constant 0 : i32
      %dma_wait3A_348 = arith.constant 0 : i32
      %dma_wait3A_349 = tpu.memref_slice %arg3[%dma_wait3A_347, %dma_wait3A_348] : memref<100000x128xf32, #tpu.memory_space<hbm>> -> memref<100000x128xf32, #tpu.memory_space<hbm>>
      tpu.wait_indirect_dma semaphore(%arg8 : memref<!tpu.dma_semaphore, #tpu.memory_space<semaphore_mem>>) src(%dma_wait3A_349 : memref<100000x128xf32, #tpu.memory_space<hbm>>) dst(%dma_wait3A_343 : memref<128x128xf32, #tpu.memory_space<vmem>>)
      %dma_wait3A_350 = arith.constant 1 : i32
      %dma_wait3A_351 = arith.constant 1 : i32
      %dma_wait3A_352 = arith.constant 0 : i32
      %dma_wait3A_353 = arith.constant 0 : i32
      %dma_wait3A_354 = tpu.memref_slice %arg6[%dma_wait3A_350, %dma_wait3A_351, %dma_wait3A_352, %dma_wait3A_353] : memref<2x3x128x128xf32, #tpu.memory_space<vmem>> -> memref<1x1x128x128xf32, #tpu.memory_space<vmem>>
      %dma_wait3A_355 = tpu.memref_squeeze %dma_wait3A_354 : memref<1x1x128x128xf32, #tpu.memory_space<vmem>> -> memref<128x128xf32, #tpu.memory_space<vmem>>
      %dma_wait3A_356 = arith.constant 0 : i32
      %dma_wait3A_357 = tpu.memref_slice %arg5[%add3A_333, %dma_wait3A_356] : memref<50x128xi32, #tpu.memory_space<vmem>> -> memref<1x128xi32, #tpu.memory_space<vmem>>
      %dma_wait3A_358 = tpu.memref_squeeze %dma_wait3A_357 : memref<1x128xi32, #tpu.memory_space<vmem>> -> memref<128xi32, #tpu.memory_space<vmem>>
      %dma_wait3A_359 = arith.constant 0 : i32
      %dma_wait3A_360 = arith.constant 0 : i32
      %dma_wait3A_361 = tpu.memref_slice %arg3[%dma_wait3A_359, %dma_wait3A_360] : memref<100000x128xf32, #tpu.memory_space<hbm>> -> memref<100000x128xf32, #tpu.memory_space<hbm>>
      tpu.wait_indirect_dma semaphore(%arg8 : memref<!tpu.dma_semaphore, #tpu.memory_space<semaphore_mem>>) src(%dma_wait3A_361 : memref<100000x128xf32, #tpu.memory_space<hbm>>) dst(%dma_wait3A_355 : memref<128x128xf32, #tpu.memory_space<vmem>>)
      %dma_wait3A_362 = arith.constant 1 : i32
      %dma_wait3A_363 = arith.constant 2 : i32
      %dma_wait3A_364 = arith.constant 0 : i32
      %dma_wait3A_365 = arith.constant 0 : i32
      %dma_wait3A_366 = tpu.memref_slice %arg6[%dma_wait3A_362, %dma_wait3A_363, %dma_wait3A_364, %dma_wait3A_365] : memref<2x3x128x128xf32, #tpu.memory_space<vmem>> -> memref<1x1x128x128xf32, #tpu.memory_space<vmem>>
      %dma_wait3A_367 = tpu.memref_squeeze %dma_wait3A_366 : memref<1x1x128x128xf32, #tpu.memory_space<vmem>> -> memref<128x128xf32, #tpu.memory_space<vmem>>
      %dma_wait3A_368 = arith.constant 0 : i32
      %dma_wait3A_369 = tpu.memref_slice %arg5[%add3A_337, %dma_wait3A_368] : memref<50x128xi32, #tpu.memory_space<vmem>> -> memref<1x128xi32, #tpu.memory_space<vmem>>
      %dma_wait3A_370 = tpu.memref_squeeze %dma_wait3A_369 : memref<1x128xi32, #tpu.memory_space<vmem>> -> memref<128xi32, #tpu.memory_space<vmem>>
      %dma_wait3A_371 = arith.constant 0 : i32
      %dma_wait3A_372 = arith.constant 0 : i32
      %dma_wait3A_373 = tpu.memref_slice %arg3[%dma_wait3A_371, %dma_wait3A_372] : memref<100000x128xf32, #tpu.memory_space<hbm>> -> memref<100000x128xf32, #tpu.memory_space<hbm>>
      tpu.wait_indirect_dma semaphore(%arg8 : memref<!tpu.dma_semaphore, #tpu.memory_space<semaphore_mem>>) src(%dma_wait3A_373 : memref<100000x128xf32, #tpu.memory_space<hbm>>) dst(%dma_wait3A_367 : memref<128x128xf32, #tpu.memory_space<vmem>>)
      %mul3A_374 = arith.constant 3 : i32
      %mul3A_375 = arith.muli %add3A_325, %mul3A_374 : i32
      %run_scoped3A_376 = arith.constant 1 : i32
      "tpu.region"() ({
        %run_scoped3A_427 = tpu.sem_alloc : memref<!tpu.dma_semaphore, #tpu.memory_space<semaphore_mem>>
        %dma_start3A_428 = arith.constant 0 : i32
        %dma_start3A_429 = arith.constant 0 : i32
        %dma_start3A_430 = arith.constant 0 : i32
        %dma_start3A_431 = tpu.memref_slice %arg6[%run_scoped3A_376, %dma_start3A_428, %dma_start3A_429, %dma_start3A_430] : memref<2x3x128x128xf32, #tpu.memory_space<vmem>> -> memref<1x3x128x128xf32, #tpu.memory_space<vmem>>
        %dma_start3A_432 = tpu.memref_squeeze %dma_start3A_431 : memref<1x3x128x128xf32, #tpu.memory_space<vmem>> -> memref<3x128x128xf32, #tpu.memory_space<vmem>>
        %dma_start3A_433 = arith.constant 0 : i32
        %dma_start3A_434 = tpu.memref_slice %arg4[%mul3A_375, %mul3A_2, %dma_start3A_433] : memref<50x4096x128xf32, #tpu.memory_space<hbm>> -> memref<3x128x128xf32, #tpu.memory_space<hbm>>
        %dma_start3A_435 = arith.constant 0 : i32
        %dma_start3A_436 = tpu.memref_slice %arg4[%mul3A_375, %mul3A_2, %dma_start3A_435] : memref<50x4096x128xf32, #tpu.memory_space<hbm>> -> memref<3x128x128xf32, #tpu.memory_space<hbm>>
        %dma_start3A_437 = arith.constant 0 : i32
        %dma_start3A_438 = arith.constant 0 : i32
        %dma_start3A_439 = arith.constant 0 : i32
        %dma_start3A_440 = tpu.memref_slice %arg6[%run_scoped3A_376, %dma_start3A_437, %dma_start3A_438, %dma_start3A_439] : memref<2x3x128x128xf32, #tpu.memory_space<vmem>> -> memref<1x3x128x128xf32, #tpu.memory_space<vmem>>
        %dma_start3A_441 = tpu.memref_squeeze %dma_start3A_440 : memref<1x3x128x128xf32, #tpu.memory_space<vmem>> -> memref<3x128x128xf32, #tpu.memory_space<vmem>>
        tpu.enqueue_dma source(%dma_start3A_441 : memref<3x128x128xf32, #tpu.memory_space<vmem>>) target(%dma_start3A_436 : memref<3x128x128xf32, #tpu.memory_space<hbm>>) target_semaphore(%run_scoped3A_427 : memref<!tpu.dma_semaphore, #tpu.memory_space<semaphore_mem>>)
        %dma_wait3A_442 = arith.constant 0 : i32
        %dma_wait3A_443 = arith.constant 0 : i32
        %dma_wait3A_444 = arith.constant 0 : i32
        %dma_wait3A_445 = tpu.memref_slice %arg6[%run_scoped3A_376, %dma_wait3A_442, %dma_wait3A_443, %dma_wait3A_444] : memref<2x3x128x128xf32, #tpu.memory_space<vmem>> -> memref<1x3x128x128xf32, #tpu.memory_space<vmem>>
        %dma_wait3A_446 = tpu.memref_squeeze %dma_wait3A_445 : memref<1x3x128x128xf32, #tpu.memory_space<vmem>> -> memref<3x128x128xf32, #tpu.memory_space<vmem>>
        %dma_wait3A_447 = arith.constant 0 : i32
        %dma_wait3A_448 = tpu.memref_slice %arg4[%mul3A_375, %mul3A_2, %dma_wait3A_447] : memref<50x4096x128xf32, #tpu.memory_space<hbm>> -> memref<3x128x128xf32, #tpu.memory_space<hbm>>
        %dma_wait3A_449 = arith.constant 0 : i32
        %dma_wait3A_450 = tpu.memref_slice %arg4[%mul3A_375, %mul3A_2, %dma_wait3A_449] : memref<50x4096x128xf32, #tpu.memory_space<hbm>> -> memref<3x128x128xf32, #tpu.memory_space<hbm>>
        %dma_wait3A_451 = arith.constant 0 : i32
        %dma_wait3A_452 = arith.constant 0 : i32
        %dma_wait3A_453 = arith.constant 0 : i32
        %dma_wait3A_454 = tpu.memref_slice %arg6[%run_scoped3A_376, %dma_wait3A_451, %dma_wait3A_452, %dma_wait3A_453] : memref<2x3x128x128xf32, #tpu.memory_space<vmem>> -> memref<1x3x128x128xf32, #tpu.memory_space<vmem>>
        %dma_wait3A_455 = tpu.memref_squeeze %dma_wait3A_454 : memref<1x3x128x128xf32, #tpu.memory_space<vmem>> -> memref<3x128x128xf32, #tpu.memory_space<vmem>>
        tpu.wait_dma2 semaphore(%run_scoped3A_427 : memref<!tpu.dma_semaphore, #tpu.memory_space<semaphore_mem>>) src(%dma_wait3A_455 : memref<3x128x128xf32, #tpu.memory_space<vmem>>) dst(%dma_wait3A_450 : memref<3x128x128xf32, #tpu.memory_space<hbm>>)
        tpu.yield
      }) : () -> ()
      %add3A_377 = arith.constant 2 : i32
      %add3A_378 = arith.addi %add3A_325, %add3A_377 : i32
      %mul3A_379 = arith.constant 3 : i32
      %mul3A_380 = arith.muli %add3A_378, %mul3A_379 : i32
      %add3A_381 = arith.constant 0 : i32
      %add3A_382 = arith.addi %mul3A_380, %add3A_381 : i32
      %mul3A_383 = arith.constant 3 : i32
      %mul3A_384 = arith.muli %add3A_378, %mul3A_383 : i32
      %add3A_385 = arith.constant 1 : i32
      %add3A_386 = arith.addi %mul3A_384, %add3A_385 : i32
      %mul3A_387 = arith.constant 3 : i32
      %mul3A_388 = arith.muli %add3A_378, %mul3A_387 : i32
      %add3A_389 = arith.constant 2 : i32
      %add3A_390 = arith.addi %mul3A_388, %add3A_389 : i32
      %dma_start3A_391 = arith.constant 1 : i32
      %dma_start3A_392 = arith.constant 0 : i32
      %dma_start3A_393 = arith.constant 0 : i32
      %dma_start3A_394 = arith.constant 0 : i32
      %dma_start3A_395 = tpu.memref_slice %arg6[%dma_start3A_391, %dma_start3A_392, %dma_start3A_393, %dma_start3A_394] : memref<2x3x128x128xf32, #tpu.memory_space<vmem>> -> memref<1x1x128x128xf32, #tpu.memory_space<vmem>>
      %dma_start3A_396 = tpu.memref_squeeze %dma_start3A_395 : memref<1x1x128x128xf32, #tpu.memory_space<vmem>> -> memref<128x128xf32, #tpu.memory_space<vmem>>
      %dma_start3A_397 = arith.constant 0 : i32
      %dma_start3A_398 = tpu.memref_slice %arg5[%add3A_382, %dma_start3A_397] : memref<50x128xi32, #tpu.memory_space<vmem>> -> memref<1x128xi32, #tpu.memory_space<vmem>>
      %dma_start3A_399 = tpu.memref_squeeze %dma_start3A_398 : memref<1x128xi32, #tpu.memory_space<vmem>> -> memref<128xi32, #tpu.memory_space<vmem>>
      %dma_start3A_400 = arith.constant 0 : i32
      %dma_start3A_401 = arith.constant 0 : i32
      %dma_start3A_402 = tpu.memref_slice %arg3[%dma_start3A_400, %dma_start3A_401] : memref<100000x128xf32, #tpu.memory_space<hbm>> -> memref<100000x128xf32, #tpu.memory_space<hbm>>
      tpu.enqueue_indirect_dma source(%dma_start3A_402 : memref<100000x128xf32, #tpu.memory_space<hbm>>) target(%dma_start3A_396 : memref<128x128xf32, #tpu.memory_space<vmem>>) offsets(%dma_start3A_399 : memref<128xi32, #tpu.memory_space<vmem>>) semaphore(%arg8 : memref<!tpu.dma_semaphore, #tpu.memory_space<semaphore_mem>>)
      %dma_start3A_403 = arith.constant 1 : i32
      %dma_start3A_404 = arith.constant 1 : i32
      %dma_start3A_405 = arith.constant 0 : i32
      %dma_start3A_406 = arith.constant 0 : i32
      %dma_start3A_407 = tpu.memref_slice %arg6[%dma_start3A_403, %dma_start3A_404, %dma_start3A_405, %dma_start3A_406] : memref<2x3x128x128xf32, #tpu.memory_space<vmem>> -> memref<1x1x128x128xf32, #tpu.memory_space<vmem>>
      %dma_start3A_408 = tpu.memref_squeeze %dma_start3A_407 : memref<1x1x128x128xf32, #tpu.memory_space<vmem>> -> memref<128x128xf32, #tpu.memory_space<vmem>>
      %dma_start3A_409 = arith.constant 0 : i32
      %dma_start3A_410 = tpu.memref_slice %arg5[%add3A_386, %dma_start3A_409] : memref<50x128xi32, #tpu.memory_space<vmem>> -> memref<1x128xi32, #tpu.memory_space<vmem>>
      %dma_start3A_411 = tpu.memref_squeeze %dma_start3A_410 : memref<1x128xi32, #tpu.memory_space<vmem>> -> memref<128xi32, #tpu.memory_space<vmem>>
      %dma_start3A_412 = arith.constant 0 : i32
      %dma_start3A_413 = arith.constant 0 : i32
      %dma_start3A_414 = tpu.memref_slice %arg3[%dma_start3A_412, %dma_start3A_413] : memref<100000x128xf32, #tpu.memory_space<hbm>> -> memref<100000x128xf32, #tpu.memory_space<hbm>>
      tpu.enqueue_indirect_dma source(%dma_start3A_414 : memref<100000x128xf32, #tpu.memory_space<hbm>>) target(%dma_start3A_408 : memref<128x128xf32, #tpu.memory_space<vmem>>) offsets(%dma_start3A_411 : memref<128xi32, #tpu.memory_space<vmem>>) semaphore(%arg8 : memref<!tpu.dma_semaphore, #tpu.memory_space<semaphore_mem>>)
      %dma_start3A_415 = arith.constant 1 : i32
      %dma_start3A_416 = arith.constant 2 : i32
      %dma_start3A_417 = arith.constant 0 : i32
      %dma_start3A_418 = arith.constant 0 : i32
      %dma_start3A_419 = tpu.memref_slice %arg6[%dma_start3A_415, %dma_start3A_416, %dma_start3A_417, %dma_start3A_418] : memref<2x3x128x128xf32, #tpu.memory_space<vmem>> -> memref<1x1x128x128xf32, #tpu.memory_space<vmem>>
      %dma_start3A_420 = tpu.memref_squeeze %dma_start3A_419 : memref<1x1x128x128xf32, #tpu.memory_space<vmem>> -> memref<128x128xf32, #tpu.memory_space<vmem>>
      %dma_start3A_421 = arith.constant 0 : i32
      %dma_start3A_422 = tpu.memref_slice %arg5[%add3A_390, %dma_start3A_421] : memref<50x128xi32, #tpu.memory_space<vmem>> -> memref<1x128xi32, #tpu.memory_space<vmem>>
      %dma_start3A_423 = tpu.memref_squeeze %dma_start3A_422 : memref<1x128xi32, #tpu.memory_space<vmem>> -> memref<128xi32, #tpu.memory_space<vmem>>
      %dma_start3A_424 = arith.constant 0 : i32
      %dma_start3A_425 = arith.constant 0 : i32
      %dma_start3A_426 = tpu.memref_slice %arg3[%dma_start3A_424, %dma_start3A_425] : memref<100000x128xf32, #tpu.memory_space<hbm>> -> memref<100000x128xf32, #tpu.memory_space<hbm>>
      tpu.enqueue_indirect_dma source(%dma_start3A_426 : memref<100000x128xf32, #tpu.memory_space<hbm>>) target(%dma_start3A_420 : memref<128x128xf32, #tpu.memory_space<vmem>>) offsets(%dma_start3A_423 : memref<128xi32, #tpu.memory_space<vmem>>) semaphore(%arg8 : memref<!tpu.dma_semaphore, #tpu.memory_space<semaphore_mem>>)
    }
    %scan3A_84 = arith.constant 7 : i32
    %dma_wait3A = arith.constant 42 : i32
    %dma_wait3A_85 = arith.constant 0 : i32
    %dma_wait3A_86 = arith.constant 0 : i32
    %dma_wait3A_87 = arith.constant 0 : i32
    %dma_wait3A_88 = arith.constant 0 : i32
    %dma_wait3A_89 = tpu.memref_slice %arg6[%dma_wait3A_85, %dma_wait3A_86, %dma_wait3A_87, %dma_wait3A_88] : memref<2x3x128x128xf32, #tpu.memory_space<vmem>> -> memref<1x1x128x128xf32, #tpu.memory_space<vmem>>
    %dma_wait3A_90 = tpu.memref_squeeze %dma_wait3A_89 : memref<1x1x128x128xf32, #tpu.memory_space<vmem>> -> memref<128x128xf32, #tpu.memory_space<vmem>>
    %dma_wait3A_91 = arith.constant 0 : i32
    %dma_wait3A_92 = tpu.memref_slice %arg5[%dma_wait3A, %dma_wait3A_91] : memref<50x128xi32, #tpu.memory_space<vmem>> -> memref<1x128xi32, #tpu.memory_space<vmem>>
    %dma_wait3A_93 = tpu.memref_squeeze %dma_wait3A_92 : memref<1x128xi32, #tpu.memory_space<vmem>> -> memref<128xi32, #tpu.memory_space<vmem>>
    %dma_wait3A_94 = arith.constant 0 : i32
    %dma_wait3A_95 = arith.constant 0 : i32
    %dma_wait3A_96 = tpu.memref_slice %arg3[%dma_wait3A_94, %dma_wait3A_95] : memref<100000x128xf32, #tpu.memory_space<hbm>> -> memref<100000x128xf32, #tpu.memory_space<hbm>>
    tpu.wait_indirect_dma semaphore(%arg7 : memref<!tpu.dma_semaphore, #tpu.memory_space<semaphore_mem>>) src(%dma_wait3A_96 : memref<100000x128xf32, #tpu.memory_space<hbm>>) dst(%dma_wait3A_90 : memref<128x128xf32, #tpu.memory_space<vmem>>)
    %dma_wait3A_97 = arith.constant 43 : i32
    %dma_wait3A_98 = arith.constant 0 : i32
    %dma_wait3A_99 = arith.constant 1 : i32
    %dma_wait3A_100 = arith.constant 0 : i32
    %dma_wait3A_101 = arith.constant 0 : i32
    %dma_wait3A_102 = tpu.memref_slice %arg6[%dma_wait3A_98, %dma_wait3A_99, %dma_wait3A_100, %dma_wait3A_101] : memref<2x3x128x128xf32, #tpu.memory_space<vmem>> -> memref<1x1x128x128xf32, #tpu.memory_space<vmem>>
    %dma_wait3A_103 = tpu.memref_squeeze %dma_wait3A_102 : memref<1x1x128x128xf32, #tpu.memory_space<vmem>> -> memref<128x128xf32, #tpu.memory_space<vmem>>
    %dma_wait3A_104 = arith.constant 0 : i32
    %dma_wait3A_105 = tpu.memref_slice %arg5[%dma_wait3A_97, %dma_wait3A_104] : memref<50x128xi32, #tpu.memory_space<vmem>> -> memref<1x128xi32, #tpu.memory_space<vmem>>
    %dma_wait3A_106 = tpu.memref_squeeze %dma_wait3A_105 : memref<1x128xi32, #tpu.memory_space<vmem>> -> memref<128xi32, #tpu.memory_space<vmem>>
    %dma_wait3A_107 = arith.constant 0 : i32
    %dma_wait3A_108 = arith.constant 0 : i32
    %dma_wait3A_109 = tpu.memref_slice %arg3[%dma_wait3A_107, %dma_wait3A_108] : memref<100000x128xf32, #tpu.memory_space<hbm>> -> memref<100000x128xf32, #tpu.memory_space<hbm>>
    tpu.wait_indirect_dma semaphore(%arg7 : memref<!tpu.dma_semaphore, #tpu.memory_space<semaphore_mem>>) src(%dma_wait3A_109 : memref<100000x128xf32, #tpu.memory_space<hbm>>) dst(%dma_wait3A_103 : memref<128x128xf32, #tpu.memory_space<vmem>>)
    %dma_wait3A_110 = arith.constant 44 : i32
    %dma_wait3A_111 = arith.constant 0 : i32
    %dma_wait3A_112 = arith.constant 2 : i32
    %dma_wait3A_113 = arith.constant 0 : i32
    %dma_wait3A_114 = arith.constant 0 : i32
    %dma_wait3A_115 = tpu.memref_slice %arg6[%dma_wait3A_111, %dma_wait3A_112, %dma_wait3A_113, %dma_wait3A_114] : memref<2x3x128x128xf32, #tpu.memory_space<vmem>> -> memref<1x1x128x128xf32, #tpu.memory_space<vmem>>
    %dma_wait3A_116 = tpu.memref_squeeze %dma_wait3A_115 : memref<1x1x128x128xf32, #tpu.memory_space<vmem>> -> memref<128x128xf32, #tpu.memory_space<vmem>>
    %dma_wait3A_117 = arith.constant 0 : i32
    %dma_wait3A_118 = tpu.memref_slice %arg5[%dma_wait3A_110, %dma_wait3A_117] : memref<50x128xi32, #tpu.memory_space<vmem>> -> memref<1x128xi32, #tpu.memory_space<vmem>>
    %dma_wait3A_119 = tpu.memref_squeeze %dma_wait3A_118 : memref<1x128xi32, #tpu.memory_space<vmem>> -> memref<128xi32, #tpu.memory_space<vmem>>
    %dma_wait3A_120 = arith.constant 0 : i32
    %dma_wait3A_121 = arith.constant 0 : i32
    %dma_wait3A_122 = tpu.memref_slice %arg3[%dma_wait3A_120, %dma_wait3A_121] : memref<100000x128xf32, #tpu.memory_space<hbm>> -> memref<100000x128xf32, #tpu.memory_space<hbm>>
    tpu.wait_indirect_dma semaphore(%arg7 : memref<!tpu.dma_semaphore, #tpu.memory_space<semaphore_mem>>) src(%dma_wait3A_122 : memref<100000x128xf32, #tpu.memory_space<hbm>>) dst(%dma_wait3A_116 : memref<128x128xf32, #tpu.memory_space<vmem>>)
    %run_scoped3A = arith.constant 0 : i32
    "tpu.region"() ({
      %run_scoped3A_216 = tpu.sem_alloc : memref<!tpu.dma_semaphore, #tpu.memory_space<semaphore_mem>>
      %dma_start3A_217 = arith.constant 0 : i32
      %dma_start3A_218 = arith.constant 0 : i32
      %dma_start3A_219 = arith.constant 0 : i32
      %dma_start3A_220 = tpu.memref_slice %arg6[%run_scoped3A, %dma_start3A_217, %dma_start3A_218, %dma_start3A_219] : memref<2x3x128x128xf32, #tpu.memory_space<vmem>> -> memref<1x3x128x128xf32, #tpu.memory_space<vmem>>
      %dma_start3A_221 = tpu.memref_squeeze %dma_start3A_220 : memref<1x3x128x128xf32, #tpu.memory_space<vmem>> -> memref<3x128x128xf32, #tpu.memory_space<vmem>>
      %dma_start3A_222 = arith.constant 42 : i32
      %dma_start3A_223 = arith.constant 0 : i32
      %dma_start3A_224 = tpu.memref_slice %arg4[%dma_start3A_222, %mul3A_2, %dma_start3A_223] : memref<50x4096x128xf32, #tpu.memory_space<hbm>> -> memref<3x128x128xf32, #tpu.memory_space<hbm>>
      %dma_start3A_225 = arith.constant 42 : i32
      %dma_start3A_226 = arith.constant 0 : i32
      %dma_start3A_227 = tpu.memref_slice %arg4[%dma_start3A_225, %mul3A_2, %dma_start3A_226] : memref<50x4096x128xf32, #tpu.memory_space<hbm>> -> memref<3x128x128xf32, #tpu.memory_space<hbm>>
      %dma_start3A_228 = arith.constant 0 : i32
      %dma_start3A_229 = arith.constant 0 : i32
      %dma_start3A_230 = arith.constant 0 : i32
      %dma_start3A_231 = tpu.memref_slice %arg6[%run_scoped3A, %dma_start3A_228, %dma_start3A_229, %dma_start3A_230] : memref<2x3x128x128xf32, #tpu.memory_space<vmem>> -> memref<1x3x128x128xf32, #tpu.memory_space<vmem>>
      %dma_start3A_232 = tpu.memref_squeeze %dma_start3A_231 : memref<1x3x128x128xf32, #tpu.memory_space<vmem>> -> memref<3x128x128xf32, #tpu.memory_space<vmem>>
      tpu.enqueue_dma source(%dma_start3A_232 : memref<3x128x128xf32, #tpu.memory_space<vmem>>) target(%dma_start3A_227 : memref<3x128x128xf32, #tpu.memory_space<hbm>>) target_semaphore(%run_scoped3A_216 : memref<!tpu.dma_semaphore, #tpu.memory_space<semaphore_mem>>)
      %dma_wait3A_233 = arith.constant 0 : i32
      %dma_wait3A_234 = arith.constant 0 : i32
      %dma_wait3A_235 = arith.constant 0 : i32
      %dma_wait3A_236 = tpu.memref_slice %arg6[%run_scoped3A, %dma_wait3A_233, %dma_wait3A_234, %dma_wait3A_235] : memref<2x3x128x128xf32, #tpu.memory_space<vmem>> -> memref<1x3x128x128xf32, #tpu.memory_space<vmem>>
      %dma_wait3A_237 = tpu.memref_squeeze %dma_wait3A_236 : memref<1x3x128x128xf32, #tpu.memory_space<vmem>> -> memref<3x128x128xf32, #tpu.memory_space<vmem>>
      %dma_wait3A_238 = arith.constant 42 : i32
      %dma_wait3A_239 = arith.constant 0 : i32
      %dma_wait3A_240 = tpu.memref_slice %arg4[%dma_wait3A_238, %mul3A_2, %dma_wait3A_239] : memref<50x4096x128xf32, #tpu.memory_space<hbm>> -> memref<3x128x128xf32, #tpu.memory_space<hbm>>
      %dma_wait3A_241 = arith.constant 42 : i32
      %dma_wait3A_242 = arith.constant 0 : i32
      %dma_wait3A_243 = tpu.memref_slice %arg4[%dma_wait3A_241, %mul3A_2, %dma_wait3A_242] : memref<50x4096x128xf32, #tpu.memory_space<hbm>> -> memref<3x128x128xf32, #tpu.memory_space<hbm>>
      %dma_wait3A_244 = arith.constant 0 : i32
      %dma_wait3A_245 = arith.constant 0 : i32
      %dma_wait3A_246 = arith.constant 0 : i32
      %dma_wait3A_247 = tpu.memref_slice %arg6[%run_scoped3A, %dma_wait3A_244, %dma_wait3A_245, %dma_wait3A_246] : memref<2x3x128x128xf32, #tpu.memory_space<vmem>> -> memref<1x3x128x128xf32, #tpu.memory_space<vmem>>
      %dma_wait3A_248 = tpu.memref_squeeze %dma_wait3A_247 : memref<1x3x128x128xf32, #tpu.memory_space<vmem>> -> memref<3x128x128xf32, #tpu.memory_space<vmem>>
      tpu.wait_dma2 semaphore(%run_scoped3A_216 : memref<!tpu.dma_semaphore, #tpu.memory_space<semaphore_mem>>) src(%dma_wait3A_248 : memref<3x128x128xf32, #tpu.memory_space<vmem>>) dst(%dma_wait3A_243 : memref<3x128x128xf32, #tpu.memory_space<hbm>>)
      tpu.yield
    }) : () -> ()
    %dma_start3A_123 = arith.constant 48 : i32
    %dma_start3A_124 = arith.constant 0 : i32
    %dma_start3A_125 = arith.constant 0 : i32
    %dma_start3A_126 = arith.constant 0 : i32
    %dma_start3A_127 = arith.constant 0 : i32
    %dma_start3A_128 = tpu.memref_slice %arg6[%dma_start3A_124, %dma_start3A_125, %dma_start3A_126, %dma_start3A_127] : memref<2x3x128x128xf32, #tpu.memory_space<vmem>> -> memref<1x1x128x128xf32, #tpu.memory_space<vmem>>
    %dma_start3A_129 = tpu.memref_squeeze %dma_start3A_128 : memref<1x1x128x128xf32, #tpu.memory_space<vmem>> -> memref<128x128xf32, #tpu.memory_space<vmem>>
    %dma_start3A_130 = arith.constant 0 : i32
    %dma_start3A_131 = tpu.memref_slice %arg5[%dma_start3A_123, %dma_start3A_130] : memref<50x128xi32, #tpu.memory_space<vmem>> -> memref<1x128xi32, #tpu.memory_space<vmem>>
    %dma_start3A_132 = tpu.memref_squeeze %dma_start3A_131 : memref<1x128xi32, #tpu.memory_space<vmem>> -> memref<128xi32, #tpu.memory_space<vmem>>
    %dma_start3A_133 = arith.constant 0 : i32
    %dma_start3A_134 = arith.constant 0 : i32
    %dma_start3A_135 = tpu.memref_slice %arg3[%dma_start3A_133, %dma_start3A_134] : memref<100000x128xf32, #tpu.memory_space<hbm>> -> memref<100000x128xf32, #tpu.memory_space<hbm>>
    tpu.enqueue_indirect_dma source(%dma_start3A_135 : memref<100000x128xf32, #tpu.memory_space<hbm>>) target(%dma_start3A_129 : memref<128x128xf32, #tpu.memory_space<vmem>>) offsets(%dma_start3A_132 : memref<128xi32, #tpu.memory_space<vmem>>) semaphore(%arg7 : memref<!tpu.dma_semaphore, #tpu.memory_space<semaphore_mem>>)
    %dma_start3A_136 = arith.constant 49 : i32
    %dma_start3A_137 = arith.constant 0 : i32
    %dma_start3A_138 = arith.constant 1 : i32
    %dma_start3A_139 = arith.constant 0 : i32
    %dma_start3A_140 = arith.constant 0 : i32
    %dma_start3A_141 = tpu.memref_slice %arg6[%dma_start3A_137, %dma_start3A_138, %dma_start3A_139, %dma_start3A_140] : memref<2x3x128x128xf32, #tpu.memory_space<vmem>> -> memref<1x1x128x128xf32, #tpu.memory_space<vmem>>
    %dma_start3A_142 = tpu.memref_squeeze %dma_start3A_141 : memref<1x1x128x128xf32, #tpu.memory_space<vmem>> -> memref<128x128xf32, #tpu.memory_space<vmem>>
    %dma_start3A_143 = arith.constant 0 : i32
    %dma_start3A_144 = tpu.memref_slice %arg5[%dma_start3A_136, %dma_start3A_143] : memref<50x128xi32, #tpu.memory_space<vmem>> -> memref<1x128xi32, #tpu.memory_space<vmem>>
    %dma_start3A_145 = tpu.memref_squeeze %dma_start3A_144 : memref<1x128xi32, #tpu.memory_space<vmem>> -> memref<128xi32, #tpu.memory_space<vmem>>
    %dma_start3A_146 = arith.constant 0 : i32
    %dma_start3A_147 = arith.constant 0 : i32
    %dma_start3A_148 = tpu.memref_slice %arg3[%dma_start3A_146, %dma_start3A_147] : memref<100000x128xf32, #tpu.memory_space<hbm>> -> memref<100000x128xf32, #tpu.memory_space<hbm>>
    tpu.enqueue_indirect_dma source(%dma_start3A_148 : memref<100000x128xf32, #tpu.memory_space<hbm>>) target(%dma_start3A_142 : memref<128x128xf32, #tpu.memory_space<vmem>>) offsets(%dma_start3A_145 : memref<128xi32, #tpu.memory_space<vmem>>) semaphore(%arg7 : memref<!tpu.dma_semaphore, #tpu.memory_space<semaphore_mem>>)
    %dma_wait3A_149 = arith.constant 45 : i32
    %dma_wait3A_150 = arith.constant 1 : i32
    %dma_wait3A_151 = arith.constant 0 : i32
    %dma_wait3A_152 = arith.constant 0 : i32
    %dma_wait3A_153 = arith.constant 0 : i32
    %dma_wait3A_154 = tpu.memref_slice %arg6[%dma_wait3A_150, %dma_wait3A_151, %dma_wait3A_152, %dma_wait3A_153] : memref<2x3x128x128xf32, #tpu.memory_space<vmem>> -> memref<1x1x128x128xf32, #tpu.memory_space<vmem>>
    %dma_wait3A_155 = tpu.memref_squeeze %dma_wait3A_154 : memref<1x1x128x128xf32, #tpu.memory_space<vmem>> -> memref<128x128xf32, #tpu.memory_space<vmem>>
    %dma_wait3A_156 = arith.constant 0 : i32
    %dma_wait3A_157 = tpu.memref_slice %arg5[%dma_wait3A_149, %dma_wait3A_156] : memref<50x128xi32, #tpu.memory_space<vmem>> -> memref<1x128xi32, #tpu.memory_space<vmem>>
    %dma_wait3A_158 = tpu.memref_squeeze %dma_wait3A_157 : memref<1x128xi32, #tpu.memory_space<vmem>> -> memref<128xi32, #tpu.memory_space<vmem>>
    %dma_wait3A_159 = arith.constant 0 : i32
    %dma_wait3A_160 = arith.constant 0 : i32
    %dma_wait3A_161 = tpu.memref_slice %arg3[%dma_wait3A_159, %dma_wait3A_160] : memref<100000x128xf32, #tpu.memory_space<hbm>> -> memref<100000x128xf32, #tpu.memory_space<hbm>>
    tpu.wait_indirect_dma semaphore(%arg8 : memref<!tpu.dma_semaphore, #tpu.memory_space<semaphore_mem>>) src(%dma_wait3A_161 : memref<100000x128xf32, #tpu.memory_space<hbm>>) dst(%dma_wait3A_155 : memref<128x128xf32, #tpu.memory_space<vmem>>)
    %dma_wait3A_162 = arith.constant 46 : i32
    %dma_wait3A_163 = arith.constant 1 : i32
    %dma_wait3A_164 = arith.constant 1 : i32
    %dma_wait3A_165 = arith.constant 0 : i32
    %dma_wait3A_166 = arith.constant 0 : i32
    %dma_wait3A_167 = tpu.memref_slice %arg6[%dma_wait3A_163, %dma_wait3A_164, %dma_wait3A_165, %dma_wait3A_166] : memref<2x3x128x128xf32, #tpu.memory_space<vmem>> -> memref<1x1x128x128xf32, #tpu.memory_space<vmem>>
    %dma_wait3A_168 = tpu.memref_squeeze %dma_wait3A_167 : memref<1x1x128x128xf32, #tpu.memory_space<vmem>> -> memref<128x128xf32, #tpu.memory_space<vmem>>
    %dma_wait3A_169 = arith.constant 0 : i32
    %dma_wait3A_170 = tpu.memref_slice %arg5[%dma_wait3A_162, %dma_wait3A_169] : memref<50x128xi32, #tpu.memory_space<vmem>> -> memref<1x128xi32, #tpu.memory_space<vmem>>
    %dma_wait3A_171 = tpu.memref_squeeze %dma_wait3A_170 : memref<1x128xi32, #tpu.memory_space<vmem>> -> memref<128xi32, #tpu.memory_space<vmem>>
    %dma_wait3A_172 = arith.constant 0 : i32
    %dma_wait3A_173 = arith.constant 0 : i32
    %dma_wait3A_174 = tpu.memref_slice %arg3[%dma_wait3A_172, %dma_wait3A_173] : memref<100000x128xf32, #tpu.memory_space<hbm>> -> memref<100000x128xf32, #tpu.memory_space<hbm>>
    tpu.wait_indirect_dma semaphore(%arg8 : memref<!tpu.dma_semaphore, #tpu.memory_space<semaphore_mem>>) src(%dma_wait3A_174 : memref<100000x128xf32, #tpu.memory_space<hbm>>) dst(%dma_wait3A_168 : memref<128x128xf32, #tpu.memory_space<vmem>>)
    %dma_wait3A_175 = arith.constant 47 : i32
    %dma_wait3A_176 = arith.constant 1 : i32
    %dma_wait3A_177 = arith.constant 2 : i32
    %dma_wait3A_178 = arith.constant 0 : i32
    %dma_wait3A_179 = arith.constant 0 : i32
    %dma_wait3A_180 = tpu.memref_slice %arg6[%dma_wait3A_176, %dma_wait3A_177, %dma_wait3A_178, %dma_wait3A_179] : memref<2x3x128x128xf32, #tpu.memory_space<vmem>> -> memref<1x1x128x128xf32, #tpu.memory_space<vmem>>
    %dma_wait3A_181 = tpu.memref_squeeze %dma_wait3A_180 : memref<1x1x128x128xf32, #tpu.memory_space<vmem>> -> memref<128x128xf32, #tpu.memory_space<vmem>>
    %dma_wait3A_182 = arith.constant 0 : i32
    %dma_wait3A_183 = tpu.memref_slice %arg5[%dma_wait3A_175, %dma_wait3A_182] : memref<50x128xi32, #tpu.memory_space<vmem>> -> memref<1x128xi32, #tpu.memory_space<vmem>>
    %dma_wait3A_184 = tpu.memref_squeeze %dma_wait3A_183 : memref<1x128xi32, #tpu.memory_space<vmem>> -> memref<128xi32, #tpu.memory_space<vmem>>
    %dma_wait3A_185 = arith.constant 0 : i32
    %dma_wait3A_186 = arith.constant 0 : i32
    %dma_wait3A_187 = tpu.memref_slice %arg3[%dma_wait3A_185, %dma_wait3A_186] : memref<100000x128xf32, #tpu.memory_space<hbm>> -> memref<100000x128xf32, #tpu.memory_space<hbm>>
    tpu.wait_indirect_dma semaphore(%arg8 : memref<!tpu.dma_semaphore, #tpu.memory_space<semaphore_mem>>) src(%dma_wait3A_187 : memref<100000x128xf32, #tpu.memory_space<hbm>>) dst(%dma_wait3A_181 : memref<128x128xf32, #tpu.memory_space<vmem>>)
    %run_scoped3A_188 = arith.constant 1 : i32
    "tpu.region"() ({
      %run_scoped3A_216 = tpu.sem_alloc : memref<!tpu.dma_semaphore, #tpu.memory_space<semaphore_mem>>
      %dma_start3A_217 = arith.constant 0 : i32
      %dma_start3A_218 = arith.constant 0 : i32
      %dma_start3A_219 = arith.constant 0 : i32
      %dma_start3A_220 = tpu.memref_slice %arg6[%run_scoped3A_188, %dma_start3A_217, %dma_start3A_218, %dma_start3A_219] : memref<2x3x128x128xf32, #tpu.memory_space<vmem>> -> memref<1x3x128x128xf32, #tpu.memory_space<vmem>>
      %dma_start3A_221 = tpu.memref_squeeze %dma_start3A_220 : memref<1x3x128x128xf32, #tpu.memory_space<vmem>> -> memref<3x128x128xf32, #tpu.memory_space<vmem>>
      %dma_start3A_222 = arith.constant 45 : i32
      %dma_start3A_223 = arith.constant 0 : i32
      %dma_start3A_224 = tpu.memref_slice %arg4[%dma_start3A_222, %mul3A_2, %dma_start3A_223] : memref<50x4096x128xf32, #tpu.memory_space<hbm>> -> memref<3x128x128xf32, #tpu.memory_space<hbm>>
      %dma_start3A_225 = arith.constant 45 : i32
      %dma_start3A_226 = arith.constant 0 : i32
      %dma_start3A_227 = tpu.memref_slice %arg4[%dma_start3A_225, %mul3A_2, %dma_start3A_226] : memref<50x4096x128xf32, #tpu.memory_space<hbm>> -> memref<3x128x128xf32, #tpu.memory_space<hbm>>
      %dma_start3A_228 = arith.constant 0 : i32
      %dma_start3A_229 = arith.constant 0 : i32
      %dma_start3A_230 = arith.constant 0 : i32
      %dma_start3A_231 = tpu.memref_slice %arg6[%run_scoped3A_188, %dma_start3A_228, %dma_start3A_229, %dma_start3A_230] : memref<2x3x128x128xf32, #tpu.memory_space<vmem>> -> memref<1x3x128x128xf32, #tpu.memory_space<vmem>>
      %dma_start3A_232 = tpu.memref_squeeze %dma_start3A_231 : memref<1x3x128x128xf32, #tpu.memory_space<vmem>> -> memref<3x128x128xf32, #tpu.memory_space<vmem>>
      tpu.enqueue_dma source(%dma_start3A_232 : memref<3x128x128xf32, #tpu.memory_space<vmem>>) target(%dma_start3A_227 : memref<3x128x128xf32, #tpu.memory_space<hbm>>) target_semaphore(%run_scoped3A_216 : memref<!tpu.dma_semaphore, #tpu.memory_space<semaphore_mem>>)
      %dma_wait3A_233 = arith.constant 0 : i32
      %dma_wait3A_234 = arith.constant 0 : i32
      %dma_wait3A_235 = arith.constant 0 : i32
      %dma_wait3A_236 = tpu.memref_slice %arg6[%run_scoped3A_188, %dma_wait3A_233, %dma_wait3A_234, %dma_wait3A_235] : memref<2x3x128x128xf32, #tpu.memory_space<vmem>> -> memref<1x3x128x128xf32, #tpu.memory_space<vmem>>
      %dma_wait3A_237 = tpu.memref_squeeze %dma_wait3A_236 : memref<1x3x128x128xf32, #tpu.memory_space<vmem>> -> memref<3x128x128xf32, #tpu.memory_space<vmem>>
      %dma_wait3A_238 = arith.constant 45 : i32
      %dma_wait3A_239 = arith.constant 0 : i32
      %dma_wait3A_240 = tpu.memref_slice %arg4[%dma_wait3A_238, %mul3A_2, %dma_wait3A_239] : memref<50x4096x128xf32, #tpu.memory_space<hbm>> -> memref<3x128x128xf32, #tpu.memory_space<hbm>>
      %dma_wait3A_241 = arith.constant 45 : i32
      %dma_wait3A_242 = arith.constant 0 : i32
      %dma_wait3A_243 = tpu.memref_slice %arg4[%dma_wait3A_241, %mul3A_2, %dma_wait3A_242] : memref<50x4096x128xf32, #tpu.memory_space<hbm>> -> memref<3x128x128xf32, #tpu.memory_space<hbm>>
      %dma_wait3A_244 = arith.constant 0 : i32
      %dma_wait3A_245 = arith.constant 0 : i32
      %dma_wait3A_246 = arith.constant 0 : i32
      %dma_wait3A_247 = tpu.memref_slice %arg6[%run_scoped3A_188, %dma_wait3A_244, %dma_wait3A_245, %dma_wait3A_246] : memref<2x3x128x128xf32, #tpu.memory_space<vmem>> -> memref<1x3x128x128xf32, #tpu.memory_space<vmem>>
      %dma_wait3A_248 = tpu.memref_squeeze %dma_wait3A_247 : memref<1x3x128x128xf32, #tpu.memory_space<vmem>> -> memref<3x128x128xf32, #tpu.memory_space<vmem>>
      tpu.wait_dma2 semaphore(%run_scoped3A_216 : memref<!tpu.dma_semaphore, #tpu.memory_space<semaphore_mem>>) src(%dma_wait3A_248 : memref<3x128x128xf32, #tpu.memory_space<vmem>>) dst(%dma_wait3A_243 : memref<3x128x128xf32, #tpu.memory_space<hbm>>)
      tpu.yield
    }) : () -> ()
    %dma_wait3A_189 = arith.constant 48 : i32
    %dma_wait3A_190 = arith.constant 0 : i32
    %dma_wait3A_191 = arith.constant 0 : i32
    %dma_wait3A_192 = arith.constant 0 : i32
    %dma_wait3A_193 = arith.constant 0 : i32
    %dma_wait3A_194 = tpu.memref_slice %arg6[%dma_wait3A_190, %dma_wait3A_191, %dma_wait3A_192, %dma_wait3A_193] : memref<2x3x128x128xf32, #tpu.memory_space<vmem>> -> memref<1x1x128x128xf32, #tpu.memory_space<vmem>>
    %dma_wait3A_195 = tpu.memref_squeeze %dma_wait3A_194 : memref<1x1x128x128xf32, #tpu.memory_space<vmem>> -> memref<128x128xf32, #tpu.memory_space<vmem>>
    %dma_wait3A_196 = arith.constant 0 : i32
    %dma_wait3A_197 = tpu.memref_slice %arg5[%dma_wait3A_189, %dma_wait3A_196] : memref<50x128xi32, #tpu.memory_space<vmem>> -> memref<1x128xi32, #tpu.memory_space<vmem>>
    %dma_wait3A_198 = tpu.memref_squeeze %dma_wait3A_197 : memref<1x128xi32, #tpu.memory_space<vmem>> -> memref<128xi32, #tpu.memory_space<vmem>>
    %dma_wait3A_199 = arith.constant 0 : i32
    %dma_wait3A_200 = arith.constant 0 : i32
    %dma_wait3A_201 = tpu.memref_slice %arg3[%dma_wait3A_199, %dma_wait3A_200] : memref<100000x128xf32, #tpu.memory_space<hbm>> -> memref<100000x128xf32, #tpu.memory_space<hbm>>
    tpu.wait_indirect_dma semaphore(%arg7 : memref<!tpu.dma_semaphore, #tpu.memory_space<semaphore_mem>>) src(%dma_wait3A_201 : memref<100000x128xf32, #tpu.memory_space<hbm>>) dst(%dma_wait3A_195 : memref<128x128xf32, #tpu.memory_space<vmem>>)
    %dma_wait3A_202 = arith.constant 49 : i32
    %dma_wait3A_203 = arith.constant 0 : i32
    %dma_wait3A_204 = arith.constant 1 : i32
    %dma_wait3A_205 = arith.constant 0 : i32
    %dma_wait3A_206 = arith.constant 0 : i32
    %dma_wait3A_207 = tpu.memref_slice %arg6[%dma_wait3A_203, %dma_wait3A_204, %dma_wait3A_205, %dma_wait3A_206] : memref<2x3x128x128xf32, #tpu.memory_space<vmem>> -> memref<1x1x128x128xf32, #tpu.memory_space<vmem>>
    %dma_wait3A_208 = tpu.memref_squeeze %dma_wait3A_207 : memref<1x1x128x128xf32, #tpu.memory_space<vmem>> -> memref<128x128xf32, #tpu.memory_space<vmem>>
    %dma_wait3A_209 = arith.constant 0 : i32
    %dma_wait3A_210 = tpu.memref_slice %arg5[%dma_wait3A_202, %dma_wait3A_209] : memref<50x128xi32, #tpu.memory_space<vmem>> -> memref<1x128xi32, #tpu.memory_space<vmem>>
    %dma_wait3A_211 = tpu.memref_squeeze %dma_wait3A_210 : memref<1x128xi32, #tpu.memory_space<vmem>> -> memref<128xi32, #tpu.memory_space<vmem>>
    %dma_wait3A_212 = arith.constant 0 : i32
    %dma_wait3A_213 = arith.constant 0 : i32
    %dma_wait3A_214 = tpu.memref_slice %arg3[%dma_wait3A_212, %dma_wait3A_213] : memref<100000x128xf32, #tpu.memory_space<hbm>> -> memref<100000x128xf32, #tpu.memory_space<hbm>>
    tpu.wait_indirect_dma semaphore(%arg7 : memref<!tpu.dma_semaphore, #tpu.memory_space<semaphore_mem>>) src(%dma_wait3A_214 : memref<100000x128xf32, #tpu.memory_space<hbm>>) dst(%dma_wait3A_208 : memref<128x128xf32, #tpu.memory_space<vmem>>)
    %run_scoped3A_215 = arith.constant 0 : i32
    "tpu.region"() ({
      %run_scoped3A_216 = tpu.sem_alloc : memref<!tpu.dma_semaphore, #tpu.memory_space<semaphore_mem>>
      %dma_start3A_217 = arith.constant 0 : i32
      %dma_start3A_218 = arith.constant 0 : i32
      %dma_start3A_219 = arith.constant 0 : i32
      %dma_start3A_220 = tpu.memref_slice %arg6[%run_scoped3A_215, %dma_start3A_217, %dma_start3A_218, %dma_start3A_219] : memref<2x3x128x128xf32, #tpu.memory_space<vmem>> -> memref<1x2x128x128xf32, #tpu.memory_space<vmem>>
      %dma_start3A_221 = tpu.memref_squeeze %dma_start3A_220 : memref<1x2x128x128xf32, #tpu.memory_space<vmem>> -> memref<2x128x128xf32, #tpu.memory_space<vmem>>
      %dma_start3A_222 = arith.constant 48 : i32
      %dma_start3A_223 = arith.constant 0 : i32
      %dma_start3A_224 = tpu.memref_slice %arg4[%dma_start3A_222, %mul3A_2, %dma_start3A_223] : memref<50x4096x128xf32, #tpu.memory_space<hbm>> -> memref<2x128x128xf32, #tpu.memory_space<hbm>>
      %dma_start3A_225 = arith.constant 48 : i32
      %dma_start3A_226 = arith.constant 0 : i32
      %dma_start3A_227 = tpu.memref_slice %arg4[%dma_start3A_225, %mul3A_2, %dma_start3A_226] : memref<50x4096x128xf32, #tpu.memory_space<hbm>> -> memref<2x128x128xf32, #tpu.memory_space<hbm>>
      %dma_start3A_228 = arith.constant 0 : i32
      %dma_start3A_229 = arith.constant 0 : i32
      %dma_start3A_230 = arith.constant 0 : i32
      %dma_start3A_231 = tpu.memref_slice %arg6[%run_scoped3A_215, %dma_start3A_228, %dma_start3A_229, %dma_start3A_230] : memref<2x3x128x128xf32, #tpu.memory_space<vmem>> -> memref<1x2x128x128xf32, #tpu.memory_space<vmem>>
      %dma_start3A_232 = tpu.memref_squeeze %dma_start3A_231 : memref<1x2x128x128xf32, #tpu.memory_space<vmem>> -> memref<2x128x128xf32, #tpu.memory_space<vmem>>
      tpu.enqueue_dma source(%dma_start3A_232 : memref<2x128x128xf32, #tpu.memory_space<vmem>>) target(%dma_start3A_227 : memref<2x128x128xf32, #tpu.memory_space<hbm>>) target_semaphore(%run_scoped3A_216 : memref<!tpu.dma_semaphore, #tpu.memory_space<semaphore_mem>>)
      %dma_wait3A_233 = arith.constant 0 : i32
      %dma_wait3A_234 = arith.constant 0 : i32
      %dma_wait3A_235 = arith.constant 0 : i32
      %dma_wait3A_236 = tpu.memref_slice %arg6[%run_scoped3A_215, %dma_wait3A_233, %dma_wait3A_234, %dma_wait3A_235] : memref<2x3x128x128xf32, #tpu.memory_space<vmem>> -> memref<1x2x128x128xf32, #tpu.memory_space<vmem>>
      %dma_wait3A_237 = tpu.memref_squeeze %dma_wait3A_236 : memref<1x2x128x128xf32, #tpu.memory_space<vmem>> -> memref<2x128x128xf32, #tpu.memory_space<vmem>>
      %dma_wait3A_238 = arith.constant 48 : i32
      %dma_wait3A_239 = arith.constant 0 : i32
      %dma_wait3A_240 = tpu.memref_slice %arg4[%dma_wait3A_238, %mul3A_2, %dma_wait3A_239] : memref<50x4096x128xf32, #tpu.memory_space<hbm>> -> memref<2x128x128xf32, #tpu.memory_space<hbm>>
      %dma_wait3A_241 = arith.constant 48 : i32
      %dma_wait3A_242 = arith.constant 0 : i32
      %dma_wait3A_243 = tpu.memref_slice %arg4[%dma_wait3A_241, %mul3A_2, %dma_wait3A_242] : memref<50x4096x128xf32, #tpu.memory_space<hbm>> -> memref<2x128x128xf32, #tpu.memory_space<hbm>>
      %dma_wait3A_244 = arith.constant 0 : i32
      %dma_wait3A_245 = arith.constant 0 : i32
      %dma_wait3A_246 = arith.constant 0 : i32
      %dma_wait3A_247 = tpu.memref_slice %arg6[%run_scoped3A_215, %dma_wait3A_244, %dma_wait3A_245, %dma_wait3A_246] : memref<2x3x128x128xf32, #tpu.memory_space<vmem>> -> memref<1x2x128x128xf32, #tpu.memory_space<vmem>>
      %dma_wait3A_248 = tpu.memref_squeeze %dma_wait3A_247 : memref<1x2x128x128xf32, #tpu.memory_space<vmem>> -> memref<2x128x128xf32, #tpu.memory_space<vmem>>
      tpu.wait_dma2 semaphore(%run_scoped3A_216 : memref<!tpu.dma_semaphore, #tpu.memory_space<semaphore_mem>>) src(%dma_wait3A_248 : memref<2x128x128xf32, #tpu.memory_space<vmem>>) dst(%dma_wait3A_243 : memref<2x128x128xf32, #tpu.memory_space<hbm>>)
      tpu.yield
    }) : () -> ()
    return
  }
}

</mosaic_0001>

<sc_bundles>
// kernel: kernel.3.cloned.1.call-start
scs
__scs_entry_jumppad:
0x0: {  	(pc) =	sbr.rel $0x88, $3  }
0x1: {  	(tag) =	ssettag $0x0;
	lr =	simm.s32 $0x1  }
0x2: {  	[smem:$0x3F9F] =	sst lr;
	_ =	strace $0xD0000000  }
0x3: {  	_ = 	snop  }
0x4: {  	_ = 	snop  }
0x5: {  	_ = 	snop  }
0x6: {  	_ = 	snop  }
0x7: {  	_ = 	snop  }
__scs_overlays_trampoline_lowered:
0x8: {  	[smem:$0x3FAE] =	sst s0  }
0x9: {  	[smem:$0x3FAF] =	sst s1  }
0xa: {  	[smem:$0x3FB0] =	sst s2  }
0xb: {  	[smem:$0x3FB1] =	sst s3  }
0xc: {  	[smem:$0x3FB2] =	sst s4  }
0xd: {  	[smem:$0x3FB3] =	sst s5  }
0xe: {  	[smem:$0x3FB4] =	sst s6  }
0xf: {  	[smem:$0x3FB5] =	sst s7  }
0x10: {  	[smem:$0x3FB6] =	sst s8  }
0x11: {  	[smem:$0x3FB7] =	sst s9;
	s0 =	simm.s32 @!p0 $0x0  }
0x12: {  	s1 =	sld [smem:$0x3F9D];
	s0 =	simm.s32 @p0 $0x1  }
0x13: {  	[smem:$0x3FB8] =	sst s0;
	s0 =	simm.s32 @!p1 $0x0  }
0x14: {  	s2 =	sld [smem:$0x3F9C];
	s0 =	simm.s32 @p1 $0x1  }
0x15: {  	[smem:$0x3FB9] =	sst s0;
	s0 =	simm.s32 @!p2 $0x0  }
0x16: {  	s3 =	sld [smem:$0x3FDB];
	s0 =	simm.s32 @p2 $0x1  }
0x17: {  	s4 =	simm.s32 $0x1BF5;
	[smem:$0x3FBB] =	sst s0  }
0x18: {  	s0 =	sld [smem:$0x3F9E];
	_ =	swait.ge [sflag:s4], $0x0  }
0x19: {  	s7 =	sld [smem:$0x3F9F]  }
0x1a: {  	s8 =	sadd.s32 $0xFFFFE003, lr  }
0x1b: {  	s9 =	sadd.s32 $0xFFFFFEF7, lr;
	s5 =	simm.s32 $0xFFFFFFFF;
	p2 =	slt.u32 s8, $0xFFFFF086  }
0x1c: {  	p1 =	slt.u32 s9, $0xF7A;
	s5 =	simm.s32 @!p2 $0x0  }
0x1d: {  	s5 =	simm.s32 @p1 $0x1;
	p0 =	seq.s32 s7, s2  }
0x1e: {  	s7 =	smul.u32 @!p0 $0xF7A, s2;
	p2 =	seq.s32 @!p0 s5, $0x0  }
0x1f: {  	s9 =	smul.u32 $0xF7A, s1;
	s8 =	simm.s32 @!p0 $0x1BF5;
	p2 =	por !p2, p0  }
0x20: {  	[sflag:s8] =	ssyncset.s32 @!p0 $0xFFFFF086;
	s6 =	sadd.s32 @!p0 s3, s7;
	s7 =	simm.s32 @!p0 $0x108  }
0x21: {  	s3 =	sadd.s32 s3, s9;
	s6 =	sadd.s32 @!p0 $0x88, s6;
	s7 =	simm.s32 @p2 $0x1082  }
0x22: {  	[simem:s7], [sflag:s8] =	dma.local @!p0 [hbm:s6], $0xF7A  }
0x23: {  	s9 =	sor.u32 $0xD0000000, s2;
	s6 =	simm.s32 $0x108;
	_ =	swait.ge @!p0 [sflag:s8], $0x0  }
0x24: {  	s3 =	sadd.s32 $0x88, s3;
	s6 =	simm.s32 @!p1 $0x1082;
	[sflag:s4] =	ssyncset.s32 $0xFFFFF086  }
0x25: {  	[simem:s6], [sflag:s4] =	dma.local [hbm:s3], $0xF7A  }
0x26: {  	[smem:$0x3F9F] =	sst s1;
	(tag) =	ssettag s2;
	_ =	strace s9  }
0x27: {  	s1 =	sld [smem:$0x3FAF]  }
0x28: {  	s2 =	sld [smem:$0x3FB0]  }
0x29: {  	s4 =	sld [smem:$0x3FB2]  }
0x2a: {  	p0 =	seq.s32 s5, $0x0;
	s5 =	sld [smem:$0x3FB3]  }
0x2b: {  	s6 =	sld [smem:$0x3FB4]  }
0x2c: {  	s7 =	sld [smem:$0x3FB5]  }
0x2d: {  	s3 =	simm.s32 $0x108;
	s8 =	sld [smem:$0x3FB6]  }
0x2e: {  	s3 =	simm.s32 @!p0 $0x1082;
	s9 =	sld [smem:$0x3FB7]  }
0x2f: {  	lr =	sadd.s32 s0, s3;
	s0 =	sld [smem:$0x3FAE]  }
0x30: {  	s3 =	sld [smem:$0x3FB1]  }
0x31: {  	[smem:$0x3FBA] =	sst s10  }
0x32: {  	s10 =	sld [smem:$0x3FB8];
	_ =	sdelay $0x3  }
0x33: {  	p0 =	seq.s32 s10, $0x1;
	s10 =	sld [smem:$0x3FBA];
	_ =	sdelay $0x3  }
0x34: {  	[smem:$0x3FBA] =	sst s10  }
0x35: {  	s10 =	sld [smem:$0x3FB9];
	_ =	sdelay $0x3  }
0x36: {  	p1 =	seq.s32 s10, $0x1;
	s10 =	sld [smem:$0x3FBA];
	_ =	sdelay $0x3  }
0x37: {  	[smem:$0x3FBA] =	sst s10  }
0x38: {  	s10 =	sld [smem:$0x3FBB]  }
0x39: {  	_ = 	snop;
	(pc) =	sbr.ind lr, $3  }
0x3a: {  	_ = 	snop  }
0x3b: {  	_ = 	snop  }
0x3c: {  	p2 =	seq.s32 s10, $0x1;
	s10 =	sld [smem:$0x3FBA]  }
0x3d: {  	_ =	shalt  }
0x3e: {  	_ =	shalt  }
0x3f: {  	_ =	shalt  }
0x40: {  	_ =	shalt  }
0x41: {  	_ =	shalt  }
0x42: {  	_ =	shalt  }
0x43: {  	_ =	shalt  }
0x44: {  	_ =	shalt  }
0x45: {  	_ =	shalt  }
0x46: {  	_ =	shalt  }
0x47: {  	_ =	shalt  }
0x48: {  	_ =	shalt  }
0x49: {  	_ =	shalt  }
0x4a: {  	_ =	shalt  }
0x4b: {  	_ =	shalt  }
0x4c: {  	_ =	shalt  }
0x4d: {  	_ =	shalt  }
0x4e: {  	_ =	shalt  }
0x4f: {  	_ =	shalt  }
0x50: {  	_ =	shalt  }
0x51: {  	_ =	shalt  }
0x52: {  	_ =	shalt  }
0x53: {  	_ =	shalt  }
0x54: {  	_ =	shalt  }
0x55: {  	_ =	shalt  }
0x56: {  	_ =	shalt  }
0x57: {  	_ =	shalt  }
0x58: {  	_ =	shalt  }
0x59: {  	_ =	shalt  }
0x5a: {  	_ =	shalt  }
0x5b: {  	_ =	shalt  }
0x5c: {  	_ =	shalt  }
0x5d: {  	_ =	shalt  }
0x5e: {  	_ =	shalt  }
0x5f: {  	_ =	shalt  }
0x60: {  	_ =	shalt  }
0x61: {  	_ =	shalt  }
0x62: {  	_ =	shalt  }
0x63: {  	_ =	shalt  }
0x64: {  	_ =	shalt  }
0x65: {  	_ =	shalt  }
0x66: {  	_ =	shalt  }
0x67: {  	_ =	shalt  }
0x68: {  	_ =	shalt  }
0x69: {  	_ =	shalt  }
0x6a: {  	_ =	shalt  }
0x6b: {  	_ =	shalt  }
0x6c: {  	_ =	shalt  }
0x6d: {  	_ =	shalt  }
0x6e: {  	_ =	shalt  }
0x6f: {  	_ =	shalt  }
0x70: {  	_ =	shalt  }
0x71: {  	_ =	shalt  }
0x72: {  	_ =	shalt  }
0x73: {  	_ =	shalt  }
0x74: {  	_ =	shalt  }
0x75: {  	_ =	shalt  }
0x76: {  	_ =	shalt  }
0x77: {  	_ =	shalt  }
0x78: {  	_ =	shalt  }
0x79: {  	_ =	shalt  }
0x7a: {  	_ =	shalt  }
0x7b: {  	_ =	shalt  }
0x7c: {  	_ =	shalt  }
0x7d: {  	_ =	shalt  }
0x7e: {  	_ =	shalt  }
0x7f: {  	_ =	shalt  }
0x80: {  	_ =	shalt  }
0x81: {  	_ =	shalt  }
0x82: {  	_ =	shalt  }
0x83: {  	_ =	shalt  }
0x84: {  	_ =	shalt  }
0x85: {  	_ =	shalt  }
0x86: {  	_ =	shalt  }
0x87: {  	_ =	shalt  }
.Lfunc_end0:
.L_simem_size_0:
called_computation_lowered:
.L_overlay_start_0:
0x88: {  	s2 =	sld [smem:$0x3FD9]  }
0x89: {  	s3 =	sld [smem:$0x3FFE];
	_ =	sdelay $0x1  }
0x8a: {  	s1 =	srdreg.scid  }
0x8b: {  	s0 =	sand.u32 $0x1, s1  }
0x8c: {  	s18 =	sshll.u32 s0, $0xA;
	s2 =	sadd.s32 s3, s2  }
0x8d: {  	s2 =	sadd.s32 s2, s18  }
0x8e: {  	[smem:$0x3FC6] =	sst s2  }
0x8f: {  	_ = 	snop  }
0x90: {  	s2 =	sld [smem:$0x3FC9]  }
0x91: {  	s19 =	sld [smem:$0x3FC8]  }
0x92: {  	s4 =	sld [smem:$0x3FD0];
	(tm) =	ssettm $0x1  }
0x93: {  	s5 =	sld [smem:$0x3FFB];
	_ =	sdelay $0x3  }
0x94: {  	_ =	strace s5  }
0x95: {  	s5 =	sld [smem:$0x3FFC];
	_ =	sdelay $0x3  }
0x96: {  	_ =	strace s5  }
0x97: {  	s5 =	sld [smem:$0x3FFD];
	_ =	sdelay $0x3  }
0x98: {  	_ =	strace s5  }
0x99: {  	_ =	strace $0x8FFFFFFF  }
0x9a: {  	s20 =	sld [smem:$0x3FDB];
	_ =	sdelay $0x1  }
0x9b: {  	s6 =	simm.s32 $_scs_section_size  }
0x9c: {  	s7 =	simm.s32 $_size__tile_overlayer_lowered;
	s8 =	simm.s32 $_tile_overlayer_lowered  }
0x9d: {  	s23 =	simm.s32 $0x1BFF;
	s22 =	sshll.u32 s8, $0x1;
	s5 =	sadd.s32 s6, s20  }
0x9e: {  	s9 =	simm.s32 $0x0;
	s21 =	sshll.u32 s7, $0x1;
	s7 =	sadd.s32 s22, s5  }
0x9f: {  	[timem:s9], [sflag:s23] =	dma.local [hbm:s7], s21  }
0xa0: {  	_ =	swait.ge [sflag:s23], s21  }
0xa1: {  	s6 =	ssub.s32 $0x0, s21;
	[sflag:s23] =	ssyncset.done $0x0  }
0xa2: {  	[sflag:s23] =	ssyncadd.s32 s6;
	_ =	sdelay $0x1  }
0xa3: {  	s24 =	simm.s32 $0x1B8B  }
0xa4: {  	_ =	swait.ge [sflag:s24], $0x1  }
0xa5: {  	[sflag:s24] =	ssyncset.done $0x0  }
0xa6: {  	s25 =	simm.s32 $0x1B8E;
	[sflag:s24] =	ssyncadd.s32 $0xFFFFFFFF  }
0xa7: {  	s26 =	simm.s32 $execute0_lowered;
	[smem:$0x3FD2] =	sst s25  }
0xa8: {  	s6 =	sshll.u32 s26, $0x1;
	_ =	strace $0x80000046;
	[dreg:$0x1] =	wrdreg $0xFFFFFFFF  }
0xa9: {  	s28 =	simm.s32 $_size_execute0_lowered;
	s5 =	sadd.s32 s5, s6;
	[dreg:$0x0] =	wrdreg $0x0  }
0xaa: {  	s6 =	sshll.u32 s28, $0x1;
	[dreg:$0x2] =	wrdreg s5  }
0xab: {  	[dreg:$0x3] =	wrdreg s6  }
0xac: {  	[dreg:$0x4] =	wrdreg $0xC0  }
0xad: {  	_ =	task [dreg:s9], $0x5FFFF  }
0xae: {  	[dreg:$0x1] =	wrdreg $0xFFFFFFFF  }
0xaf: {  	[dreg:$0x0] =	wrdreg $0x60  }
0xb0: {  	[dreg:$0x2] =	wrdreg s2  }
0xb1: {  	[dreg:$0x3] =	wrdreg s19  }
0xb2: {  	[dreg:$0x4] =	wrdreg s4  }
0xb3: {  	[dreg:$0x5] =	wrdreg $0x9  }
0xb4: {  	_ =	task.clear_ibuf [dreg:s9], $0x6FFFF;
	_ =	strace $0x90000046  }
0xb5: {  	s29 =	simm.s32 $0x9;
	_ =	strace $0x80000048  }
0xb6: {  	_ =	swait.ge [sflag:s29], $0x1  }
0xb7: {  	[sflag:s29] =	ssyncadd.s32 $0xFFFFFFFF  }
0xb8: {  	_ =	strace $0x90000048  }
0xb9: {  	_ =	sfence  }
0xba: {  	s30 =	sld [smem:$0x0];
	_ =	sdelay $0x2  }
0xbb: {  	s31 =	sshll.u32 s1, $0xD;
	s1 =	sshrl.u32 s1, $0x2  }
0xbc: {  	s3 =	sand.u32 $0x4000, s31;
	s1 =	sadd.s32 s1, s30  }
0xbd: {  	s0 =	sor.u32 s3, s0;
	s1 =	sshll.u32 s1, $0x11  }
0xbe: {  	s0 =	sor.u32 s1, s0  }
0xbf: {  	s0 =	sadd.s32 $0x8F2B, s0  }
0xc0: {  	[sflag:s0] =	ssyncadd.remote.s32 $0x1  }
0xc1: {  	_ =	sfence.sel $0xFFFF  }
0xc2: {  	[dreg:$0x0] =	wrdreg $0xFFFFFFFF;
	(pc) =	sbr.abs _section_cstart, $3  }
0xc3: {  	[dreg:$0x1] =	wrdreg $0xFFFFFFFF  }
0xc4: {  	_ =	task.clear_ibuf [dreg:s9], $0x2FFFF;
	_ =	strace $0x9FFFFFFF  }
0xc5: {  	(tm) =	ssettm $0x7FFFFFFF  }
tec
execute0_lowered:
.L_overlay_start_1:
0x0: {  	(tag) =	ssettag $0x1  }
0x1: {  	s0 =	rddreg [dreg:$0x0]  }
0x2: {  	s1 =	rddreg [dreg:$0x1]  }
0x3: {  	s2 =	rddreg [dreg:$0x2];
	s4 =	srdreg.scid;
	s3 =	simm.s32 $0x0  }
0x4: {  	s10 =	stileid.u32;
	s14 =	simm.s32 $0x1800;
	s15 =	simm.s32 $0x3  }
0x5: {  	s16 =	simm.s32 $0x80;
	s17 =	simm.s32 $0x1C00;
	s18 =	simm.s32 $0x5C00  }
0x6: {  	s20 =	simm.s32 $0x9C00;
	s28 =	simm.s32 $0x1;
	s29 =	simm.s32 $0x4000  }
0x7: {  	s30 =	simm.s32 $0x80000;
	s31 =	simm.s32 $0x2;
	s5 =	sand.u32 $0x1, s4  }
0x8: {  	s6 =	sshll.u32 s10, $0x8;
	[smem:$0x7FF] =	sst s3;
	s23 =	sshll.u32 s10, $0xF  }
0x9: {  	s4 =	ssub.s32 $0x2, s5;
	s7 =	sshll.u32 s5, $0x7;
	_ =	strace $0x80000047  }
0xa: {  	s24 =	sshll.u32 s5, $0xE;
	s8 =	sshrl.u32 s4, $0x1;
	s6 =	sor.u32 s7, s6  }
0xb: {  	s10 =	sor.u32 s24, s23;
	s24 =	simm.s32 $0x11C00;
	s9 =	ssub.s32 s4, s8  }
0xc: {  	s4 =	sadd.s32 s0, s6;
	s22 =	sshll.u32 s6, $0x4;
	s11 =	sor.u32 $0x180000, s10  }
0xd: {  	s26 =	sshrl.u32 s10, $0x3;
	s5 =	sadd.s32 $0x6000, s4;
	s0 =	sadd.s32 s22, s2  }
0xe: {  	s25 =	sshrl.u32 s11, $0x3;
	s9 =	smax.u32 s9, $0x1;
	s11 =	sadd.s32 s26, s2  }
0xf: {  	s22 =	simm.s32 $0xDC00;
	s26 =	simm.s32 $0x15C00;
	s6 =	sadd.s32 $0x2A0000, s0  }
0x10: {  	s7 =	sadd.s32 $0x2D0000, s0;
	s8 =	sadd.s32 $0x300000, s0;
	s10 =	sadd.s32 s25, s2  }
0x11: {  	s25 =	simm.s32 $0x280;
	s0 =	simm.s32 $0x1880;
	s2 =	simm.s32 $0x0  }
.LBB2_1:
0x12: {  	s12 =	simm.s32 $0x400;
	s13 =	simm.s32 $0x8000  }
0x13: {  	[tilespmem:s3], [sflag:$0x3] =	stream.strided.gather [hbm4b:s4+s12], $0x1800, s13, s12, $0x38;
	[tilespmem:$0x19C00] =	vst v63  }
0x14: {  	_ = 	snop  }
0x15: {  	[tilespmem:s14], [sflag:$0x3] =	stream.linear.gather [hbm4b:s5+s3], $0x100, $0x38;
	[tilespmem:$0x19C00] =	vst v63  }
0x16: {  	_ =	swait.ge [sflag:s15], $0x1900  }
0x17: {  	[sflag:s15] =	ssyncset.done $0x0  }
0x18: {  	[sflag:s15] =	ssyncadd.s32 $0xFFFFE700  }
0x19: {  	[tilespmem:s17], [sflag:$0x1] =	stream.indirect.gather [hbm4b:s1+s16], $0x80, s3, s16, $0xb8;
	[tilespmem:$0x19C00] =	vst v63  }
0x1a: {  	_ = 	snop  }
0x1b: {  	[tilespmem:s18], [sflag:$0x1] =	stream.indirect.gather [hbm4b:s1+s16], $0x80, s16, s16, $0xb8;
	[tilespmem:$0x19C00] =	vst v63  }
0x1c: {  	s13 =	simm.s32 $0x100  }
0x1d: {  	[tilespmem:s20], [sflag:$0x1] =	stream.indirect.gather [hbm4b:s1+s16], $0x80, s13, s16, $0xb8;
	[tilespmem:$0x19C00] =	vst v63  }
0x1e: {  	s19 =	simm.s32 $0x180  }
0x1f: {  	[tilespmem:s22], [sflag:$0x2] =	stream.indirect.gather [hbm4b:s1+s16], $0x80, s19, s16, $0xb8;
	[tilespmem:$0x19C00] =	vst v63  }
0x20: {  	s21 =	simm.s32 $0x200  }
0x21: {  	[tilespmem:s24], [sflag:$0x2] =	stream.indirect.gather [hbm4b:s1+s16], $0x80, s21, s16, $0xb8;
	[tilespmem:$0x19C00] =	vst v63  }
0x22: {  	_ = 	snop  }
0x23: {  	[tilespmem:s26], [sflag:$0x2] =	stream.indirect.gather [hbm4b:s1+s16], $0x80, s25, s16, $0xb8;
	[tilespmem:$0x19C00] =	vst v63  }
0x24: {  	_ =	swait.ge [sflag:s28], $0x4000  }
0x25: {  	[sflag:s28] =	ssyncset.done $0x0  }
0x26: {  	[sflag:s28] =	ssyncadd.s32 $0xFFFFC000  }
0x27: {  	_ =	swait.ge [sflag:s28], $0x4000  }
0x28: {  	[sflag:s28] =	ssyncset.done $0x0  }
0x29: {  	[sflag:s28] =	ssyncadd.s32 $0xFFFFC000  }
0x2a: {  	_ =	swait.ge [sflag:s28], $0x4000  }
0x2b: {  	[sflag:s28] =	ssyncset.done $0x0  }
0x2c: {  	[sflag:s28] =	ssyncadd.s32 $0xFFFFC000  }
0x2d: {  	[hbm4b:s11+s29] =	stream.strided.scatter [tilespmem:s17], [sflag:$0x3], $0xC000, s30, s29, $0x38;
	[tilespmem:$0x19C00] =	vst v63  }
0x2e: {  	_ =	swait.ge [sflag:s15], $0xC000  }
0x2f: {  	[sflag:s15] =	ssyncset.done $0x0  }
0x30: {  	s23 =	simm.s32 $0x300;
	[sflag:s15] =	ssyncadd.s32 $0xFFFF4000  }
0x31: {  	[tilespmem:s17], [sflag:$0x1] =	stream.indirect.gather [hbm4b:s1+s16], $0x80, s23, s16, $0xb8;
	[tilespmem:$0x19C00] =	vst v63  }
0x32: {  	s13 =	simm.s32 $0x380  }
0x33: {  	[tilespmem:s18], [sflag:$0x1] =	stream.indirect.gather [hbm4b:s1+s16], $0x80, s13, s16, $0xb8;
	[tilespmem:$0x19C00] =	vst v63  }
0x34: {  	s19 =	simm.s32 $0x400  }
0x35: {  	[tilespmem:s20], [sflag:$0x1] =	stream.indirect.gather [hbm4b:s1+s16], $0x80, s19, s16, $0xb8;
	[tilespmem:$0x19C00] =	vst v63  }
0x36: {  	_ =	swait.ge [sflag:s31], $0x4000  }
0x37: {  	[sflag:s31] =	ssyncset.done $0x0  }
0x38: {  	[sflag:s31] =	ssyncadd.s32 $0xFFFFC000  }
0x39: {  	_ =	swait.ge [sflag:s31], $0x4000  }
0x3a: {  	[sflag:s31] =	ssyncset.done $0x0  }
0x3b: {  	[sflag:s31] =	ssyncadd.s32 $0xFFFFC000  }
0x3c: {  	_ =	swait.ge [sflag:s31], $0x4000  }
0x3d: {  	[sflag:s31] =	ssyncset.done $0x0  }
0x3e: {  	[sflag:s31] =	ssyncadd.s32 $0xFFFFC000  }
0x3f: {  	[hbm4b:s10+s29] =	stream.strided.scatter [tilespmem:s22], [sflag:$0x3], $0xC000, s30, s29, $0x38;
	[tilespmem:$0x19C00] =	vst v63  }
0x40: {  	_ =	swait.ge [sflag:s15], $0xC000  }
0x41: {  	s12 =	simm.s32 $0xC00;
	[sflag:s15] =	ssyncset.done $0x0  }
0x42: {  	s21 =	simm.s32 $0x480;
	s23 =	simm.s32 $0x500;
	[sflag:s15] =	ssyncadd.s32 $0xFFFF4000  }
0x43: {  	[tilespmem:s22], [sflag:$0x2] =	stream.indirect.gather [hbm4b:s1+s16], $0x80, s21, s16, $0xb8;
	[tilespmem:$0x19C00] =	vst v63  }
0x44: {  	s13 =	sadd.s32 $0x60000, s10;
	s19 =	sadd.s32 $0x60000, s11;
	s21 =	simm.s32 $0x580  }
0x45: {  	[tilespmem:s24], [sflag:$0x2] =	stream.indirect.gather [hbm4b:s1+s16], $0x80, s23, s16, $0xb8;
	[tilespmem:$0x19C00] =	vst v63  }
.LBB2_2:
0x46: {  	[tilespmem:s26], [sflag:$0x2] =	stream.indirect.gather [hbm4b:s1+s16], $0x80, s21, s16, $0xb8;
	[tilespmem:$0x19C00] =	vst v63  }
0x47: {  	s21 =	smov.u32 s12  }
0x48: {  	p0 =	sne.s32 s12, $0x4800;
	s12 =	sadd.s32 $0xC00, s12;
	_ =	swait.ge [sflag:s28], $0x4000  }
0x49: {  	[sflag:s28] =	ssyncset.done $0x0  }
0x4a: {  	[sflag:s28] =	ssyncadd.s32 $0xFFFFC000  }
0x4b: {  	_ =	swait.ge [sflag:s28], $0x4000  }
0x4c: {  	[sflag:s28] =	ssyncset.done $0x0  }
0x4d: {  	[sflag:s28] =	ssyncadd.s32 $0xFFFFC000  }
0x4e: {  	_ =	swait.ge [sflag:s28], $0x4000  }
0x4f: {  	[sflag:s28] =	ssyncset.done $0x0  }
0x50: {  	[sflag:s28] =	ssyncadd.s32 $0xFFFFC000  }
0x51: {  	[hbm4b:s19+s29] =	stream.strided.scatter [tilespmem:s17], [sflag:$0x3], $0xC000, s30, s29, $0x38;
	[tilespmem:$0x19C00] =	vst v63  }
0x52: {  	_ =	swait.ge [sflag:s15], $0xC000  }
0x53: {  	s21 =	sshra.s32 s21, $0x2;
	[sflag:s15] =	ssyncset.done $0x0  }
0x54: {  	s23 =	sadd.s32 $0x300, s21;
	[sflag:s15] =	ssyncadd.s32 $0xFFFF4000  }
0x55: {  	[tilespmem:s17], [sflag:$0x1] =	stream.indirect.gather [hbm4b:s1+s16], $0x80, s23, s16, $0xb8;
	[tilespmem:$0x19C00] =	vst v63  }
0x56: {  	s23 =	sadd.s32 $0x380, s21  }
0x57: {  	[tilespmem:s18], [sflag:$0x1] =	stream.indirect.gather [hbm4b:s1+s16], $0x80, s23, s16, $0xb8;
	[tilespmem:$0x19C00] =	vst v63  }
0x58: {  	s23 =	sadd.s32 $0x400, s21  }
0x59: {  	[tilespmem:s20], [sflag:$0x1] =	stream.indirect.gather [hbm4b:s1+s16], $0x80, s23, s16, $0xb8;
	[tilespmem:$0x19C00] =	vst v63  }
0x5a: {  	_ =	swait.ge [sflag:s31], $0x4000  }
0x5b: {  	[sflag:s31] =	ssyncset.done $0x0  }
0x5c: {  	[sflag:s31] =	ssyncadd.s32 $0xFFFFC000  }
0x5d: {  	_ =	swait.ge [sflag:s31], $0x4000  }
0x5e: {  	[sflag:s31] =	ssyncset.done $0x0  }
0x5f: {  	[sflag:s31] =	ssyncadd.s32 $0xFFFFC000  }
0x60: {  	_ =	swait.ge [sflag:s31], $0x4000  }
0x61: {  	[sflag:s31] =	ssyncset.done $0x0  }
0x62: {  	[sflag:s31] =	ssyncadd.s32 $0xFFFFC000  }
0x63: {  	[hbm4b:s13+s29] =	stream.strided.scatter [tilespmem:s22], [sflag:$0x3], $0xC000, s30, s29, $0x38;
	[tilespmem:$0x19C00] =	vst v63  }
0x64: {  	_ =	swait.ge [sflag:s15], $0xC000  }
0x65: {  	[sflag:s15] =	ssyncset.done $0x0  }
.Ltmp0:
0x66: {  	s23 =	sadd.s32 $0x480, s21;
	[sflag:s15] =	ssyncadd.s32 $0xFFFF4000;
	(pc) =	sbr.rel @p0 .LBB2_2-.Ltmp0, $4  }
0x67: {  	[tilespmem:s22], [sflag:$0x2] =	stream.indirect.gather [hbm4b:s1+s16], $0x80, s23, s16, $0xb8;
	[tilespmem:$0x19C00] =	vst v63  }
0x68: {  	s23 =	sadd.s32 $0x500, s21  }
0x69: {  	[tilespmem:s24], [sflag:$0x2] =	stream.indirect.gather [hbm4b:s1+s16], $0x80, s23, s16, $0xb8;
	[tilespmem:$0x19C00] =	vst v63  }
0x6a: {  	s19 =	sadd.s32 $0x60000, s19;
	s13 =	sadd.s32 $0x60000, s13;
	s21 =	sadd.s32 $0x580, s21  }
0x6b: {  	[tilespmem:s26], [sflag:$0x2] =	stream.indirect.gather [hbm4b:s1+s16], $0x80, s21, s16, $0xb8;
	[tilespmem:$0x19C00] =	vst v63  }
0x6c: {  	_ =	swait.ge [sflag:s28], $0x4000  }
0x6d: {  	[sflag:s28] =	ssyncset.done $0x0  }
0x6e: {  	[sflag:s28] =	ssyncadd.s32 $0xFFFFC000  }
0x6f: {  	_ =	swait.ge [sflag:s28], $0x4000  }
0x70: {  	[sflag:s28] =	ssyncset.done $0x0  }
0x71: {  	[sflag:s28] =	ssyncadd.s32 $0xFFFFC000  }
0x72: {  	_ =	swait.ge [sflag:s28], $0x4000  }
0x73: {  	[sflag:s28] =	ssyncset.done $0x0  }
0x74: {  	[sflag:s28] =	ssyncadd.s32 $0xFFFFC000  }
0x75: {  	[hbm4b:s6+s29] =	stream.strided.scatter [tilespmem:s17], [sflag:$0x3], $0xC000, s30, s29, $0x38;
	[tilespmem:$0x19C00] =	vst v63  }
0x76: {  	_ =	swait.ge [sflag:s15], $0xC000  }
0x77: {  	[sflag:s15] =	ssyncset.done $0x0  }
0x78: {  	[sflag:s15] =	ssyncadd.s32 $0xFFFF4000  }
0x79: {  	[tilespmem:s17], [sflag:$0x1] =	stream.indirect.gather [hbm4b:s1+s16], $0x80, s14, s16, $0xb8;
	[tilespmem:$0x19C00] =	vst v63  }
0x7a: {  	_ = 	snop  }
0x7b: {  	[tilespmem:s18], [sflag:$0x1] =	stream.indirect.gather [hbm4b:s1+s16], $0x80, s0, s16, $0xb8;
	[tilespmem:$0x19C00] =	vst v63  }
0x7c: {  	_ =	swait.ge [sflag:s31], $0x4000  }
0x7d: {  	[sflag:s31] =	ssyncset.done $0x0  }
0x7e: {  	[sflag:s31] =	ssyncadd.s32 $0xFFFFC000  }
0x7f: {  	_ =	swait.ge [sflag:s31], $0x4000  }
0x80: {  	[sflag:s31] =	ssyncset.done $0x0  }
0x81: {  	[sflag:s31] =	ssyncadd.s32 $0xFFFFC000  }
0x82: {  	_ =	swait.ge [sflag:s31], $0x4000  }
0x83: {  	[sflag:s31] =	ssyncset.done $0x0  }
0x84: {  	[sflag:s31] =	ssyncadd.s32 $0xFFFFC000  }
0x85: {  	[hbm4b:s7+s29] =	stream.strided.scatter [tilespmem:s22], [sflag:$0x3], $0xC000, s30, s29, $0x38;
	[tilespmem:$0x19C00] =	vst v63  }
0x86: {  	_ =	swait.ge [sflag:s15], $0xC000  }
0x87: {  	[sflag:s15] =	ssyncset.done $0x0  }
0x88: {  	[sflag:s15] =	ssyncadd.s32 $0xFFFF4000  }
0x89: {  	_ =	swait.ge [sflag:s28], $0x4000  }
0x8a: {  	[sflag:s28] =	ssyncset.done $0x0  }
0x8b: {  	[sflag:s28] =	ssyncadd.s32 $0xFFFFC000  }
0x8c: {  	s2 =	sadd.s32 $0x1, s2;
	_ =	swait.ge [sflag:s28], $0x4000  }
0x8d: {  	p0 =	sne.s32 s2, s9;
	[sflag:s28] =	ssyncset.done $0x0  }
.Ltmp1:
0x8e: {  	[sflag:s28] =	ssyncadd.s32 $0xFFFFC000;
	(pc) =	sbr.rel @p0 .LBB2_1-.Ltmp1, $4  }
0x8f: {  	[hbm4b:s8+s29] =	stream.strided.scatter [tilespmem:s17], [sflag:$0x3], $0x8000, s30, s29, $0x38;
	[tilespmem:$0x19C00] =	vst v63  }
0x90: {  	_ =	swait.ge [sflag:s15], $0x8000  }
0x91: {  	[sflag:s15] =	ssyncset.done $0x0  }
0x92: {  	[sflag:s15] =	ssyncadd.s32 $0xFFFF8000  }
0x93: {  	_ =	sfence.sel $0x180000  }
0x94: {  	[bflag:$0x0] =	sbarrier.arrive $0xFFFF  }
0x95: {  	_ =	strace $0x90000047  }
0x96: {  	s0 =	stileid.u32;
	[bflag:$0x2] =	sbarrier.arrive $0xFFFF  }
0x97: {  	p0 =	sne.s32 s0, $0x0;
	s0 =	rddreg [dreg:$0x3]  }
0x98: {  	s0 =	sadd.s32 @!p0 $0x100000, s0  }
0x99: {  	[sflag:s0] =	ssyncadd.tile.s32 @!p0 $0x1;
	_ =	shalt  }
.Lfunc_end2:
_tile_overlayer_lowered:
.L_overlay_start_2:
0x9a: {  	(tag) =	ssettag $0x2  }
0x9b: {  	s0 =	rddreg [dreg:$0x0];
	s2 =	stileid.u32  }
0x9c: {  	s1 =	rddreg [dreg:$0x1];
	p0 =	sne.s32 s2, $0x0  }
0x9d: {  	s3 =	rddreg [dreg:$0x2];
	[bflag:$0x3] =	sbarrier.arrive $0xFFFF;
	s2 =	simm.s32 @!p0 $0x1C03  }
0x9e: {  	[timem:s3], [sflag:s2] =	dma.local @!p0 [hbm:s0], s1  }
0x9f: {  	s0 =	simm.s32 @!p0 $0x3  }
0xa0: {  	_ =	swait.ge @!p0 [sflag:s0], s1  }
0xa1: {  	s1 =	ssub.s32 @!p0 $0x0, s1;
	[sflag:s0] =	ssyncset.done @!p0 $0x0  }
0xa2: {  	[sflag:s0] =	ssyncadd.s32 @!p0 s1  }
0xa3: {  	[bflag:$0x3] =	sbarrier.arrive $0xFFFF  }
0xa4: {  	_ =	shalt  }

</sc_bundles>
